<compile_context>
chip_gen: v7x
topology: tpu7x:2x2x1
jax: 0.10.2.dev20260603
libtpu: 0.0.44.dev20260713+nightly
codegen_flags: <defaults>
</compile_context>

<pallas_src>
import functools

import jax
import jax.numpy as jnp
from jax import lax
from jax.experimental import pallas as pl
from jax.experimental.pallas import tpu as pltpu
from jax.experimental.pallas import tpu_sc as plsc

B = 16384
NUM_CONT = 16
NUM_CAT = 26
VOCAB = 100000
HIDDEN = 128
EMB_DIM = HIDDEN // 4
CONT_DIM = HIDDEN // 2
TOTAL = CONT_DIM + EMB_DIM * NUM_CAT

NC = 2
NS = 16
NW = NC * NS
ROWS = B * NUM_CAT
R_PER_W = ROWS // NW
CHUNK = 1024
N_CHUNKS = R_PER_W // CHUNK
IDX_ROWS = CHUNK // 128


def _gather_body(table_hbm, idx_hbm, out_hbm, idx_v, rows_v, sem):
    wid = lax.axis_index("s") * NC + lax.axis_index("c")
    base = wid * R_PER_W
    ibase = wid * (R_PER_W // 128)

    def body(c, carry):
        row0 = base + c * CHUNK
        irow0 = ibase + c * IDX_ROWS
        pltpu.sync_copy(idx_hbm.at[pl.ds(irow0, IDX_ROWS)], idx_v)
        copies = [
            pltpu.async_copy(
                table_hbm.at[idx_v.at[j]],
                rows_v.at[pl.ds(j * 128, 128)],
                sem,
            )
            for j in range(IDX_ROWS)
        ]
        for cp in copies:
            cp.wait()
        pltpu.sync_copy(rows_v, out_hbm.at[pl.ds(row0, CHUNK)])
        return carry

    lax.fori_loop(0, N_CHUNKS, body, 0)


_gather = functools.partial(
    pl.kernel,
    out_type=jax.ShapeDtypeStruct((ROWS, EMB_DIM), jnp.float32),
    mesh=plsc.VectorSubcoreMesh(core_axis_name="c", subcore_axis_name="s"),
    scratch_types=[
        pltpu.VMEM((IDX_ROWS, 128), jnp.int32),
        pltpu.VMEM((CHUNK, EMB_DIM), jnp.float32),
        pltpu.SemaphoreType.DMA,
    ],
    compiler_params=pltpu.CompilerParams(use_tc_tiling_on_sc=False),
)(_gather_body)


QA = 25088
NS_TR = 7
SLAB = QA // NS_TR


def _trans_body(in_ref, out_ref):
    s = pl.program_id(1)
    for k in range(NS_TR):
        @pl.when(s == k)
        def _(k=k):
            parts = []
            for a in range(4):
                lo = a * QA + k * SLAB
                hi = lo + SLAB
                if hi <= VOCAB:
                    parts.append(in_ref[0, :, lo:hi])
                else:
                    tail = in_ref[0, :, lo:VOCAB]
                    parts.append(jnp.concatenate(
                        [tail, jnp.zeros((EMB_DIM, hi - VOCAB),
                                         jnp.float32)], axis=1))
            x4 = jnp.concatenate(parts, axis=0)
            out_ref[...] = jnp.transpose(x4)


def _relayout_tables(tables):
    t2 = jnp.transpose(tables, (0, 2, 1))
    lin = pl.pallas_call(
        _trans_body,
        grid=(NUM_CAT, NS_TR),
        in_specs=[pl.BlockSpec((1, EMB_DIM, VOCAB), lambda f, s: (f, 0, 0))],
        out_specs=pl.BlockSpec((SLAB, 128), lambda f, s: (f * NS_TR + s, 0)),
        out_shape=jax.ShapeDtypeStruct((NUM_CAT * QA, 128), jnp.float32),
    )(t2)
    return lin.reshape(NUM_CAT * QA * 4, EMB_DIM)


def _mm_body(cont_ref, cat_ref, wc_ref, bc_ref, wk_ref, bk_ref, out_ref):
    ce = jnp.dot(cont_ref[...], wc_ref[...],
                 preferred_element_type=jnp.float32) + bc_ref[...]
    x = jnp.concatenate([ce, cat_ref[...]], axis=1)
    out_ref[...] = jnp.dot(x, wk_ref[...],
                           preferred_element_type=jnp.float32) + bk_ref[...]


BM = 1024


def kernel(continuous_static, categorical_static, tables, W_cont, b_cont,
           W_comb, b_comb):
    offs = (jnp.arange(NUM_CAT, dtype=jnp.int32) * (4 * QA))[None, :]
    v = categorical_static.astype(jnp.int32)
    a = jnp.minimum(v // QA, 3)
    rows = offs + 4 * (v - a * QA) + a
    idx2d = rows.reshape(ROWS // 128, 128)
    table_flat = _relayout_tables(tables)
    cat_flat = _gather(table_flat, idx2d).reshape(B, NUM_CAT * EMB_DIM)

    return pl.pallas_call(
        _mm_body,
        grid=(B // BM,),
        in_specs=[
            pl.BlockSpec((BM, NUM_CONT), lambda i: (i, 0)),
            pl.BlockSpec((BM, NUM_CAT * EMB_DIM), lambda i: (i, 0)),
            pl.BlockSpec((NUM_CONT, CONT_DIM), lambda i: (0, 0)),
            pl.BlockSpec((1, CONT_DIM), lambda i: (0, 0)),
            pl.BlockSpec((TOTAL, HIDDEN), lambda i: (0, 0)),
            pl.BlockSpec((1, HIDDEN), lambda i: (0, 0)),
        ],
        out_specs=pl.BlockSpec((BM, HIDDEN), lambda i: (i, 0)),
        out_shape=jax.ShapeDtypeStruct((B, HIDDEN), jnp.float32),
    )(continuous_static, cat_flat, W_cont, b_cont.reshape(1, CONT_DIM),
      W_comb, b_comb.reshape(1, HIDDEN))

# --- scband reference (transcript-rebuilt; emitter-appended) ---
"""Pipeline reference for scband-static-covariate-encoder-36258113913210 (READ-ONLY COPY).

The authoritative reference and input builder live on the scoring server;
editing this copy changes nothing except your own understanding.
"""

import jax, jax.numpy as jnp
import numpy as np

B = 16384
NUM_CONT = 16
NUM_CAT = 26
VOCAB = 100000
HIDDEN = 128
EMB_DIM = HIDDEN // 4  # 32
CONT_DIM = HIDDEN // 2  # 64
TOTAL = CONT_DIM + EMB_DIM * NUM_CAT  # 896


def setup_inputs(seed: int = 0) -> dict:
    key = jax.random.key(seed)
    k1, k2, k3, k4, k5, k6, k7 = jax.random.split(key, 7)
    continuous_static = jax.random.normal(k1, (B, NUM_CONT), dtype=jnp.float32)
    categorical_static = jax.random.randint(k2, (B, NUM_CAT), 0, VOCAB, dtype=jnp.int64)
    # learned params
    tables = jax.random.normal(k3, (NUM_CAT, VOCAB, EMB_DIM), dtype=jnp.float32) * 0.02
    W_cont = jax.random.normal(k4, (NUM_CONT, CONT_DIM), dtype=jnp.float32) * (1.0 / np.sqrt(NUM_CONT))
    b_cont = jnp.zeros((CONT_DIM,), dtype=jnp.float32)
    W_comb = jax.random.normal(k5, (TOTAL, HIDDEN), dtype=jnp.float32) * (1.0 / np.sqrt(TOTAL))
    b_comb = jnp.zeros((HIDDEN,), dtype=jnp.float32)
    return {
        "continuous_static": continuous_static,
        "categorical_static": categorical_static,
        "tables": tables,
        "W_cont": W_cont,
        "b_cont": b_cont,
        "W_comb": W_comb,
        "b_comb": b_comb,
    }


def reference(continuous_static, categorical_static, tables, W_cont, b_cont, W_comb, b_comb):
    # continuous projection (nn.Linear)
    cont_embed = continuous_static @ W_cont + b_cont  # [B, 64]
    # per-field embedding lookups: tables[i][categorical_static[:, i]]
    # vectorized gather: result [B, NUM_CAT, EMB_DIM]
    field_idx = jnp.arange(NUM_CAT)
    cat_embeds = tables[field_idx[None, :], categorical_static]  # [B, 26, 32]
    cat_flat = cat_embeds.reshape(cat_embeds.shape[0], NUM_CAT * EMB_DIM)  # [B, 832]
    combined = jnp.concatenate([cont_embed, cat_flat], axis=-1)  # [B, 896]
    static_encoding = combined @ W_comb + b_comb  # [B, 128]
    return static_encoding

if __name__ == "__main__":
    import jax
    _d = setup_inputs()
    print(jax.jit(kernel)(*tuple(_d.values())))

</pallas_src>

<mosaic_0001>
#map = affine_map<(d0, d1) -> (0, 0)>
module attributes {stable_mosaic.version = 14 : i64} {
  func.func @_gather_body(%arg0: i32, %arg1: i32, %arg2: memref<2609152x32xf32, #tpu.memory_space<hbm>>, %arg3: memref<3328x128xi32, #tpu.memory_space<hbm>>, %arg4: memref<425984x32xf32, #tpu.memory_space<hbm>>, %arg5: memref<8x128xi32, #tpu.memory_space<vmem>>, %arg6: memref<1024x32xf32, #tpu.memory_space<vmem>>, %arg7: memref<!tpu.dma_semaphore, #tpu.memory_space<semaphore_mem>>) attributes {dimension_semantics = [#tpu.dimension_semantics<core_parallel>, #tpu.dimension_semantics<subcore_parallel>], iteration_bounds = array<i64: 2, 16>, scalar_prefetch = 0 : i64, scratch_operands = 3 : i64, tpu.core_type = #tpu.core_type<sc_vector_subcore>, window_params = [{transform_indices = #map}, {transform_indices = #map}, {transform_indices = #map}]} {
    %mul3A = arith.constant 2 : i32
    %mul3A_0 = arith.muli %arg1, %mul3A : i32
    %add3A = arith.addi %mul3A_0, %arg0 : i32
    %mul3A_1 = arith.constant 13312 : i32
    %mul3A_2 = arith.muli %add3A, %mul3A_1 : i32
    %mul3A_3 = arith.constant 104 : i32
    %mul3A_4 = arith.muli %add3A, %mul3A_3 : i32
    %scan3A = arith.constant 0 : i32
    %scan3A_5 = arith.constant 0 : i32
    %scan3A_6 = arith.constant 13 : i32
    %scan3A_7 = arith.addi %scan3A_5, %scan3A_6 : i32
    %scan3A_8 = arith.constant 1 : i32
    scf.for %scan3A_10 = %scan3A_5 to %scan3A_7 step %scan3A_8  : i32 {
      %mul3A_11 = arith.constant 1024 : i32
      %mul3A_12 = arith.muli %scan3A_10, %mul3A_11 : i32
      %add3A_13 = arith.addi %mul3A_2, %mul3A_12 : i32
      %mul3A_14 = arith.constant 8 : i32
      %mul3A_15 = arith.muli %scan3A_10, %mul3A_14 : i32
      %add3A_16 = arith.addi %mul3A_4, %mul3A_15 : i32
      "tpu.region"() ({
        %run_scoped3A = tpu.sem_alloc : memref<!tpu.dma_semaphore, #tpu.memory_space<semaphore_mem>>
        %dma_start3A_175 = arith.constant 0 : i32
        %dma_start3A_176 = tpu.memref_slice %arg3[%add3A_16, %dma_start3A_175] : memref<3328x128xi32, #tpu.memory_space<hbm>> -> memref<8x128xi32, #tpu.memory_space<hbm>>
        %dma_start3A_177 = arith.constant 0 : i32
        %dma_start3A_178 = tpu.memref_slice %arg3[%add3A_16, %dma_start3A_177] : memref<3328x128xi32, #tpu.memory_space<hbm>> -> memref<8x128xi32, #tpu.memory_space<hbm>>
        tpu.enqueue_dma source(%dma_start3A_178 : memref<8x128xi32, #tpu.memory_space<hbm>>) target(%arg5 : memref<8x128xi32, #tpu.memory_space<vmem>>) target_semaphore(%run_scoped3A : memref<!tpu.dma_semaphore, #tpu.memory_space<semaphore_mem>>)
        %dma_wait3A_179 = arith.constant 0 : i32
        %dma_wait3A_180 = tpu.memref_slice %arg3[%add3A_16, %dma_wait3A_179] : memref<3328x128xi32, #tpu.memory_space<hbm>> -> memref<8x128xi32, #tpu.memory_space<hbm>>
        %dma_wait3A_181 = arith.constant 0 : i32
        %dma_wait3A_182 = tpu.memref_slice %arg3[%add3A_16, %dma_wait3A_181] : memref<3328x128xi32, #tpu.memory_space<hbm>> -> memref<8x128xi32, #tpu.memory_space<hbm>>
        tpu.wait_dma2 semaphore(%run_scoped3A : memref<!tpu.dma_semaphore, #tpu.memory_space<semaphore_mem>>) src(%dma_wait3A_182 : memref<8x128xi32, #tpu.memory_space<hbm>>) dst(%arg5 : memref<8x128xi32, #tpu.memory_space<vmem>>)
        tpu.yield
      }) : () -> ()
      %dma_start3A = arith.constant 0 : i32
      %dma_start3A_17 = arith.constant 0 : i32
      %dma_start3A_18 = arith.constant 0 : i32
      %dma_start3A_19 = tpu.memref_slice %arg6[%dma_start3A_17, %dma_start3A_18] : memref<1024x32xf32, #tpu.memory_space<vmem>> -> memref<128x32xf32, #tpu.memory_space<vmem>>
      %dma_start3A_20 = arith.constant 0 : i32
      %dma_start3A_21 = tpu.memref_slice %arg5[%dma_start3A, %dma_start3A_20] : memref<8x128xi32, #tpu.memory_space<vmem>> -> memref<1x128xi32, #tpu.memory_space<vmem>>
      %dma_start3A_22 = tpu.memref_squeeze %dma_start3A_21 : memref<1x128xi32, #tpu.memory_space<vmem>> -> memref<128xi32, #tpu.memory_space<vmem>>
      %dma_start3A_23 = arith.constant 0 : i32
      %dma_start3A_24 = arith.constant 0 : i32
      %dma_start3A_25 = tpu.memref_slice %arg2[%dma_start3A_23, %dma_start3A_24] : memref<2609152x32xf32, #tpu.memory_space<hbm>> -> memref<2609152x32xf32, #tpu.memory_space<hbm>>
      tpu.enqueue_indirect_dma source(%dma_start3A_25 : memref<2609152x32xf32, #tpu.memory_space<hbm>>) target(%dma_start3A_19 : memref<128x32xf32, #tpu.memory_space<vmem>>) offsets(%dma_start3A_22 : memref<128xi32, #tpu.memory_space<vmem>>) semaphore(%arg7 : memref<!tpu.dma_semaphore, #tpu.memory_space<semaphore_mem>>)
      %dma_start3A_26 = arith.constant 1 : i32
      %dma_start3A_27 = arith.constant 128 : i32
      %dma_start3A_28 = arith.constant 0 : i32
      %dma_start3A_29 = tpu.memref_slice %arg6[%dma_start3A_27, %dma_start3A_28] : memref<1024x32xf32, #tpu.memory_space<vmem>> -> memref<128x32xf32, #tpu.memory_space<vmem>>
      %dma_start3A_30 = arith.constant 0 : i32
      %dma_start3A_31 = tpu.memref_slice %arg5[%dma_start3A_26, %dma_start3A_30] : memref<8x128xi32, #tpu.memory_space<vmem>> -> memref<1x128xi32, #tpu.memory_space<vmem>>
      %dma_start3A_32 = tpu.memref_squeeze %dma_start3A_31 : memref<1x128xi32, #tpu.memory_space<vmem>> -> memref<128xi32, #tpu.memory_space<vmem>>
      %dma_start3A_33 = arith.constant 0 : i32
      %dma_start3A_34 = arith.constant 0 : i32
      %dma_start3A_35 = tpu.memref_slice %arg2[%dma_start3A_33, %dma_start3A_34] : memref<2609152x32xf32, #tpu.memory_space<hbm>> -> memref<2609152x32xf32, #tpu.memory_space<hbm>>
      tpu.enqueue_indirect_dma source(%dma_start3A_35 : memref<2609152x32xf32, #tpu.memory_space<hbm>>) target(%dma_start3A_29 : memref<128x32xf32, #tpu.memory_space<vmem>>) offsets(%dma_start3A_32 : memref<128xi32, #tpu.memory_space<vmem>>) semaphore(%arg7 : memref<!tpu.dma_semaphore, #tpu.memory_space<semaphore_mem>>)
      %dma_start3A_36 = arith.constant 2 : i32
      %dma_start3A_37 = arith.constant 256 : i32
      %dma_start3A_38 = arith.constant 0 : i32
      %dma_start3A_39 = tpu.memref_slice %arg6[%dma_start3A_37, %dma_start3A_38] : memref<1024x32xf32, #tpu.memory_space<vmem>> -> memref<128x32xf32, #tpu.memory_space<vmem>>
      %dma_start3A_40 = arith.constant 0 : i32
      %dma_start3A_41 = tpu.memref_slice %arg5[%dma_start3A_36, %dma_start3A_40] : memref<8x128xi32, #tpu.memory_space<vmem>> -> memref<1x128xi32, #tpu.memory_space<vmem>>
      %dma_start3A_42 = tpu.memref_squeeze %dma_start3A_41 : memref<1x128xi32, #tpu.memory_space<vmem>> -> memref<128xi32, #tpu.memory_space<vmem>>
      %dma_start3A_43 = arith.constant 0 : i32
      %dma_start3A_44 = arith.constant 0 : i32
      %dma_start3A_45 = tpu.memref_slice %arg2[%dma_start3A_43, %dma_start3A_44] : memref<2609152x32xf32, #tpu.memory_space<hbm>> -> memref<2609152x32xf32, #tpu.memory_space<hbm>>
      tpu.enqueue_indirect_dma source(%dma_start3A_45 : memref<2609152x32xf32, #tpu.memory_space<hbm>>) target(%dma_start3A_39 : memref<128x32xf32, #tpu.memory_space<vmem>>) offsets(%dma_start3A_42 : memref<128xi32, #tpu.memory_space<vmem>>) semaphore(%arg7 : memref<!tpu.dma_semaphore, #tpu.memory_space<semaphore_mem>>)
      %dma_start3A_46 = arith.constant 3 : i32
      %dma_start3A_47 = arith.constant 384 : i32
      %dma_start3A_48 = arith.constant 0 : i32
      %dma_start3A_49 = tpu.memref_slice %arg6[%dma_start3A_47, %dma_start3A_48] : memref<1024x32xf32, #tpu.memory_space<vmem>> -> memref<128x32xf32, #tpu.memory_space<vmem>>
      %dma_start3A_50 = arith.constant 0 : i32
      %dma_start3A_51 = tpu.memref_slice %arg5[%dma_start3A_46, %dma_start3A_50] : memref<8x128xi32, #tpu.memory_space<vmem>> -> memref<1x128xi32, #tpu.memory_space<vmem>>
      %dma_start3A_52 = tpu.memref_squeeze %dma_start3A_51 : memref<1x128xi32, #tpu.memory_space<vmem>> -> memref<128xi32, #tpu.memory_space<vmem>>
      %dma_start3A_53 = arith.constant 0 : i32
      %dma_start3A_54 = arith.constant 0 : i32
      %dma_start3A_55 = tpu.memref_slice %arg2[%dma_start3A_53, %dma_start3A_54] : memref<2609152x32xf32, #tpu.memory_space<hbm>> -> memref<2609152x32xf32, #tpu.memory_space<hbm>>
      tpu.enqueue_indirect_dma source(%dma_start3A_55 : memref<2609152x32xf32, #tpu.memory_space<hbm>>) target(%dma_start3A_49 : memref<128x32xf32, #tpu.memory_space<vmem>>) offsets(%dma_start3A_52 : memref<128xi32, #tpu.memory_space<vmem>>) semaphore(%arg7 : memref<!tpu.dma_semaphore, #tpu.memory_space<semaphore_mem>>)
      %dma_start3A_56 = arith.constant 4 : i32
      %dma_start3A_57 = arith.constant 512 : i32
      %dma_start3A_58 = arith.constant 0 : i32
      %dma_start3A_59 = tpu.memref_slice %arg6[%dma_start3A_57, %dma_start3A_58] : memref<1024x32xf32, #tpu.memory_space<vmem>> -> memref<128x32xf32, #tpu.memory_space<vmem>>
      %dma_start3A_60 = arith.constant 0 : i32
      %dma_start3A_61 = tpu.memref_slice %arg5[%dma_start3A_56, %dma_start3A_60] : memref<8x128xi32, #tpu.memory_space<vmem>> -> memref<1x128xi32, #tpu.memory_space<vmem>>
      %dma_start3A_62 = tpu.memref_squeeze %dma_start3A_61 : memref<1x128xi32, #tpu.memory_space<vmem>> -> memref<128xi32, #tpu.memory_space<vmem>>
      %dma_start3A_63 = arith.constant 0 : i32
      %dma_start3A_64 = arith.constant 0 : i32
      %dma_start3A_65 = tpu.memref_slice %arg2[%dma_start3A_63, %dma_start3A_64] : memref<2609152x32xf32, #tpu.memory_space<hbm>> -> memref<2609152x32xf32, #tpu.memory_space<hbm>>
      tpu.enqueue_indirect_dma source(%dma_start3A_65 : memref<2609152x32xf32, #tpu.memory_space<hbm>>) target(%dma_start3A_59 : memref<128x32xf32, #tpu.memory_space<vmem>>) offsets(%dma_start3A_62 : memref<128xi32, #tpu.memory_space<vmem>>) semaphore(%arg7 : memref<!tpu.dma_semaphore, #tpu.memory_space<semaphore_mem>>)
      %dma_start3A_66 = arith.constant 5 : i32
      %dma_start3A_67 = arith.constant 640 : i32
      %dma_start3A_68 = arith.constant 0 : i32
      %dma_start3A_69 = tpu.memref_slice %arg6[%dma_start3A_67, %dma_start3A_68] : memref<1024x32xf32, #tpu.memory_space<vmem>> -> memref<128x32xf32, #tpu.memory_space<vmem>>
      %dma_start3A_70 = arith.constant 0 : i32
      %dma_start3A_71 = tpu.memref_slice %arg5[%dma_start3A_66, %dma_start3A_70] : memref<8x128xi32, #tpu.memory_space<vmem>> -> memref<1x128xi32, #tpu.memory_space<vmem>>
      %dma_start3A_72 = tpu.memref_squeeze %dma_start3A_71 : memref<1x128xi32, #tpu.memory_space<vmem>> -> memref<128xi32, #tpu.memory_space<vmem>>
      %dma_start3A_73 = arith.constant 0 : i32
      %dma_start3A_74 = arith.constant 0 : i32
      %dma_start3A_75 = tpu.memref_slice %arg2[%dma_start3A_73, %dma_start3A_74] : memref<2609152x32xf32, #tpu.memory_space<hbm>> -> memref<2609152x32xf32, #tpu.memory_space<hbm>>
      tpu.enqueue_indirect_dma source(%dma_start3A_75 : memref<2609152x32xf32, #tpu.memory_space<hbm>>) target(%dma_start3A_69 : memref<128x32xf32, #tpu.memory_space<vmem>>) offsets(%dma_start3A_72 : memref<128xi32, #tpu.memory_space<vmem>>) semaphore(%arg7 : memref<!tpu.dma_semaphore, #tpu.memory_space<semaphore_mem>>)
      %dma_start3A_76 = arith.constant 6 : i32
      %dma_start3A_77 = arith.constant 768 : i32
      %dma_start3A_78 = arith.constant 0 : i32
      %dma_start3A_79 = tpu.memref_slice %arg6[%dma_start3A_77, %dma_start3A_78] : memref<1024x32xf32, #tpu.memory_space<vmem>> -> memref<128x32xf32, #tpu.memory_space<vmem>>
      %dma_start3A_80 = arith.constant 0 : i32
      %dma_start3A_81 = tpu.memref_slice %arg5[%dma_start3A_76, %dma_start3A_80] : memref<8x128xi32, #tpu.memory_space<vmem>> -> memref<1x128xi32, #tpu.memory_space<vmem>>
      %dma_start3A_82 = tpu.memref_squeeze %dma_start3A_81 : memref<1x128xi32, #tpu.memory_space<vmem>> -> memref<128xi32, #tpu.memory_space<vmem>>
      %dma_start3A_83 = arith.constant 0 : i32
      %dma_start3A_84 = arith.constant 0 : i32
      %dma_start3A_85 = tpu.memref_slice %arg2[%dma_start3A_83, %dma_start3A_84] : memref<2609152x32xf32, #tpu.memory_space<hbm>> -> memref<2609152x32xf32, #tpu.memory_space<hbm>>
      tpu.enqueue_indirect_dma source(%dma_start3A_85 : memref<2609152x32xf32, #tpu.memory_space<hbm>>) target(%dma_start3A_79 : memref<128x32xf32, #tpu.memory_space<vmem>>) offsets(%dma_start3A_82 : memref<128xi32, #tpu.memory_space<vmem>>) semaphore(%arg7 : memref<!tpu.dma_semaphore, #tpu.memory_space<semaphore_mem>>)
      %dma_start3A_86 = arith.constant 7 : i32
      %dma_start3A_87 = arith.constant 896 : i32
      %dma_start3A_88 = arith.constant 0 : i32
      %dma_start3A_89 = tpu.memref_slice %arg6[%dma_start3A_87, %dma_start3A_88] : memref<1024x32xf32, #tpu.memory_space<vmem>> -> memref<128x32xf32, #tpu.memory_space<vmem>>
      %dma_start3A_90 = arith.constant 0 : i32
      %dma_start3A_91 = tpu.memref_slice %arg5[%dma_start3A_86, %dma_start3A_90] : memref<8x128xi32, #tpu.memory_space<vmem>> -> memref<1x128xi32, #tpu.memory_space<vmem>>
      %dma_start3A_92 = tpu.memref_squeeze %dma_start3A_91 : memref<1x128xi32, #tpu.memory_space<vmem>> -> memref<128xi32, #tpu.memory_space<vmem>>
      %dma_start3A_93 = arith.constant 0 : i32
      %dma_start3A_94 = arith.constant 0 : i32
      %dma_start3A_95 = tpu.memref_slice %arg2[%dma_start3A_93, %dma_start3A_94] : memref<2609152x32xf32, #tpu.memory_space<hbm>> -> memref<2609152x32xf32, #tpu.memory_space<hbm>>
      tpu.enqueue_indirect_dma source(%dma_start3A_95 : memref<2609152x32xf32, #tpu.memory_space<hbm>>) target(%dma_start3A_89 : memref<128x32xf32, #tpu.memory_space<vmem>>) offsets(%dma_start3A_92 : memref<128xi32, #tpu.memory_space<vmem>>) semaphore(%arg7 : memref<!tpu.dma_semaphore, #tpu.memory_space<semaphore_mem>>)
      %dma_wait3A = arith.constant 0 : i32
      %dma_wait3A_96 = arith.constant 0 : i32
      %dma_wait3A_97 = arith.constant 0 : i32
      %dma_wait3A_98 = tpu.memref_slice %arg6[%dma_wait3A_96, %dma_wait3A_97] : memref<1024x32xf32, #tpu.memory_space<vmem>> -> memref<128x32xf32, #tpu.memory_space<vmem>>
      %dma_wait3A_99 = arith.constant 0 : i32
      %dma_wait3A_100 = tpu.memref_slice %arg5[%dma_wait3A, %dma_wait3A_99] : memref<8x128xi32, #tpu.memory_space<vmem>> -> memref<1x128xi32, #tpu.memory_space<vmem>>
      %dma_wait3A_101 = tpu.memref_squeeze %dma_wait3A_100 : memref<1x128xi32, #tpu.memory_space<vmem>> -> memref<128xi32, #tpu.memory_space<vmem>>
      %dma_wait3A_102 = arith.constant 0 : i32
      %dma_wait3A_103 = arith.constant 0 : i32
      %dma_wait3A_104 = tpu.memref_slice %arg2[%dma_wait3A_102, %dma_wait3A_103] : memref<2609152x32xf32, #tpu.memory_space<hbm>> -> memref<2609152x32xf32, #tpu.memory_space<hbm>>
      tpu.wait_indirect_dma semaphore(%arg7 : memref<!tpu.dma_semaphore, #tpu.memory_space<semaphore_mem>>) src(%dma_wait3A_104 : memref<2609152x32xf32, #tpu.memory_space<hbm>>) dst(%dma_wait3A_98 : memref<128x32xf32, #tpu.memory_space<vmem>>)
      %dma_wait3A_105 = arith.constant 1 : i32
      %dma_wait3A_106 = arith.constant 128 : i32
      %dma_wait3A_107 = arith.constant 0 : i32
      %dma_wait3A_108 = tpu.memref_slice %arg6[%dma_wait3A_106, %dma_wait3A_107] : memref<1024x32xf32, #tpu.memory_space<vmem>> -> memref<128x32xf32, #tpu.memory_space<vmem>>
      %dma_wait3A_109 = arith.constant 0 : i32
      %dma_wait3A_110 = tpu.memref_slice %arg5[%dma_wait3A_105, %dma_wait3A_109] : memref<8x128xi32, #tpu.memory_space<vmem>> -> memref<1x128xi32, #tpu.memory_space<vmem>>
      %dma_wait3A_111 = tpu.memref_squeeze %dma_wait3A_110 : memref<1x128xi32, #tpu.memory_space<vmem>> -> memref<128xi32, #tpu.memory_space<vmem>>
      %dma_wait3A_112 = arith.constant 0 : i32
      %dma_wait3A_113 = arith.constant 0 : i32
      %dma_wait3A_114 = tpu.memref_slice %arg2[%dma_wait3A_112, %dma_wait3A_113] : memref<2609152x32xf32, #tpu.memory_space<hbm>> -> memref<2609152x32xf32, #tpu.memory_space<hbm>>
      tpu.wait_indirect_dma semaphore(%arg7 : memref<!tpu.dma_semaphore, #tpu.memory_space<semaphore_mem>>) src(%dma_wait3A_114 : memref<2609152x32xf32, #tpu.memory_space<hbm>>) dst(%dma_wait3A_108 : memref<128x32xf32, #tpu.memory_space<vmem>>)
      %dma_wait3A_115 = arith.constant 2 : i32
      %dma_wait3A_116 = arith.constant 256 : i32
      %dma_wait3A_117 = arith.constant 0 : i32
      %dma_wait3A_118 = tpu.memref_slice %arg6[%dma_wait3A_116, %dma_wait3A_117] : memref<1024x32xf32, #tpu.memory_space<vmem>> -> memref<128x32xf32, #tpu.memory_space<vmem>>
      %dma_wait3A_119 = arith.constant 0 : i32
      %dma_wait3A_120 = tpu.memref_slice %arg5[%dma_wait3A_115, %dma_wait3A_119] : memref<8x128xi32, #tpu.memory_space<vmem>> -> memref<1x128xi32, #tpu.memory_space<vmem>>
      %dma_wait3A_121 = tpu.memref_squeeze %dma_wait3A_120 : memref<1x128xi32, #tpu.memory_space<vmem>> -> memref<128xi32, #tpu.memory_space<vmem>>
      %dma_wait3A_122 = arith.constant 0 : i32
      %dma_wait3A_123 = arith.constant 0 : i32
      %dma_wait3A_124 = tpu.memref_slice %arg2[%dma_wait3A_122, %dma_wait3A_123] : memref<2609152x32xf32, #tpu.memory_space<hbm>> -> memref<2609152x32xf32, #tpu.memory_space<hbm>>
      tpu.wait_indirect_dma semaphore(%arg7 : memref<!tpu.dma_semaphore, #tpu.memory_space<semaphore_mem>>) src(%dma_wait3A_124 : memref<2609152x32xf32, #tpu.memory_space<hbm>>) dst(%dma_wait3A_118 : memref<128x32xf32, #tpu.memory_space<vmem>>)
      %dma_wait3A_125 = arith.constant 3 : i32
      %dma_wait3A_126 = arith.constant 384 : i32
      %dma_wait3A_127 = arith.constant 0 : i32
      %dma_wait3A_128 = tpu.memref_slice %arg6[%dma_wait3A_126, %dma_wait3A_127] : memref<1024x32xf32, #tpu.memory_space<vmem>> -> memref<128x32xf32, #tpu.memory_space<vmem>>
      %dma_wait3A_129 = arith.constant 0 : i32
      %dma_wait3A_130 = tpu.memref_slice %arg5[%dma_wait3A_125, %dma_wait3A_129] : memref<8x128xi32, #tpu.memory_space<vmem>> -> memref<1x128xi32, #tpu.memory_space<vmem>>
      %dma_wait3A_131 = tpu.memref_squeeze %dma_wait3A_130 : memref<1x128xi32, #tpu.memory_space<vmem>> -> memref<128xi32, #tpu.memory_space<vmem>>
      %dma_wait3A_132 = arith.constant 0 : i32
      %dma_wait3A_133 = arith.constant 0 : i32
      %dma_wait3A_134 = tpu.memref_slice %arg2[%dma_wait3A_132, %dma_wait3A_133] : memref<2609152x32xf32, #tpu.memory_space<hbm>> -> memref<2609152x32xf32, #tpu.memory_space<hbm>>
      tpu.wait_indirect_dma semaphore(%arg7 : memref<!tpu.dma_semaphore, #tpu.memory_space<semaphore_mem>>) src(%dma_wait3A_134 : memref<2609152x32xf32, #tpu.memory_space<hbm>>) dst(%dma_wait3A_128 : memref<128x32xf32, #tpu.memory_space<vmem>>)
      %dma_wait3A_135 = arith.constant 4 : i32
      %dma_wait3A_136 = arith.constant 512 : i32
      %dma_wait3A_137 = arith.constant 0 : i32
      %dma_wait3A_138 = tpu.memref_slice %arg6[%dma_wait3A_136, %dma_wait3A_137] : memref<1024x32xf32, #tpu.memory_space<vmem>> -> memref<128x32xf32, #tpu.memory_space<vmem>>
      %dma_wait3A_139 = arith.constant 0 : i32
      %dma_wait3A_140 = tpu.memref_slice %arg5[%dma_wait3A_135, %dma_wait3A_139] : memref<8x128xi32, #tpu.memory_space<vmem>> -> memref<1x128xi32, #tpu.memory_space<vmem>>
      %dma_wait3A_141 = tpu.memref_squeeze %dma_wait3A_140 : memref<1x128xi32, #tpu.memory_space<vmem>> -> memref<128xi32, #tpu.memory_space<vmem>>
      %dma_wait3A_142 = arith.constant 0 : i32
      %dma_wait3A_143 = arith.constant 0 : i32
      %dma_wait3A_144 = tpu.memref_slice %arg2[%dma_wait3A_142, %dma_wait3A_143] : memref<2609152x32xf32, #tpu.memory_space<hbm>> -> memref<2609152x32xf32, #tpu.memory_space<hbm>>
      tpu.wait_indirect_dma semaphore(%arg7 : memref<!tpu.dma_semaphore, #tpu.memory_space<semaphore_mem>>) src(%dma_wait3A_144 : memref<2609152x32xf32, #tpu.memory_space<hbm>>) dst(%dma_wait3A_138 : memref<128x32xf32, #tpu.memory_space<vmem>>)
      %dma_wait3A_145 = arith.constant 5 : i32
      %dma_wait3A_146 = arith.constant 640 : i32
      %dma_wait3A_147 = arith.constant 0 : i32
      %dma_wait3A_148 = tpu.memref_slice %arg6[%dma_wait3A_146, %dma_wait3A_147] : memref<1024x32xf32, #tpu.memory_space<vmem>> -> memref<128x32xf32, #tpu.memory_space<vmem>>
      %dma_wait3A_149 = arith.constant 0 : i32
      %dma_wait3A_150 = tpu.memref_slice %arg5[%dma_wait3A_145, %dma_wait3A_149] : memref<8x128xi32, #tpu.memory_space<vmem>> -> memref<1x128xi32, #tpu.memory_space<vmem>>
      %dma_wait3A_151 = tpu.memref_squeeze %dma_wait3A_150 : memref<1x128xi32, #tpu.memory_space<vmem>> -> memref<128xi32, #tpu.memory_space<vmem>>
      %dma_wait3A_152 = arith.constant 0 : i32
      %dma_wait3A_153 = arith.constant 0 : i32
      %dma_wait3A_154 = tpu.memref_slice %arg2[%dma_wait3A_152, %dma_wait3A_153] : memref<2609152x32xf32, #tpu.memory_space<hbm>> -> memref<2609152x32xf32, #tpu.memory_space<hbm>>
      tpu.wait_indirect_dma semaphore(%arg7 : memref<!tpu.dma_semaphore, #tpu.memory_space<semaphore_mem>>) src(%dma_wait3A_154 : memref<2609152x32xf32, #tpu.memory_space<hbm>>) dst(%dma_wait3A_148 : memref<128x32xf32, #tpu.memory_space<vmem>>)
      %dma_wait3A_155 = arith.constant 6 : i32
      %dma_wait3A_156 = arith.constant 768 : i32
      %dma_wait3A_157 = arith.constant 0 : i32
      %dma_wait3A_158 = tpu.memref_slice %arg6[%dma_wait3A_156, %dma_wait3A_157] : memref<1024x32xf32, #tpu.memory_space<vmem>> -> memref<128x32xf32, #tpu.memory_space<vmem>>
      %dma_wait3A_159 = arith.constant 0 : i32
      %dma_wait3A_160 = tpu.memref_slice %arg5[%dma_wait3A_155, %dma_wait3A_159] : memref<8x128xi32, #tpu.memory_space<vmem>> -> memref<1x128xi32, #tpu.memory_space<vmem>>
      %dma_wait3A_161 = tpu.memref_squeeze %dma_wait3A_160 : memref<1x128xi32, #tpu.memory_space<vmem>> -> memref<128xi32, #tpu.memory_space<vmem>>
      %dma_wait3A_162 = arith.constant 0 : i32
      %dma_wait3A_163 = arith.constant 0 : i32
      %dma_wait3A_164 = tpu.memref_slice %arg2[%dma_wait3A_162, %dma_wait3A_163] : memref<2609152x32xf32, #tpu.memory_space<hbm>> -> memref<2609152x32xf32, #tpu.memory_space<hbm>>
      tpu.wait_indirect_dma semaphore(%arg7 : memref<!tpu.dma_semaphore, #tpu.memory_space<semaphore_mem>>) src(%dma_wait3A_164 : memref<2609152x32xf32, #tpu.memory_space<hbm>>) dst(%dma_wait3A_158 : memref<128x32xf32, #tpu.memory_space<vmem>>)
      %dma_wait3A_165 = arith.constant 7 : i32
      %dma_wait3A_166 = arith.constant 896 : i32
      %dma_wait3A_167 = arith.constant 0 : i32
      %dma_wait3A_168 = tpu.memref_slice %arg6[%dma_wait3A_166, %dma_wait3A_167] : memref<1024x32xf32, #tpu.memory_space<vmem>> -> memref<128x32xf32, #tpu.memory_space<vmem>>
      %dma_wait3A_169 = arith.constant 0 : i32
      %dma_wait3A_170 = tpu.memref_slice %arg5[%dma_wait3A_165, %dma_wait3A_169] : memref<8x128xi32, #tpu.memory_space<vmem>> -> memref<1x128xi32, #tpu.memory_space<vmem>>
      %dma_wait3A_171 = tpu.memref_squeeze %dma_wait3A_170 : memref<1x128xi32, #tpu.memory_space<vmem>> -> memref<128xi32, #tpu.memory_space<vmem>>
      %dma_wait3A_172 = arith.constant 0 : i32
      %dma_wait3A_173 = arith.constant 0 : i32
      %dma_wait3A_174 = tpu.memref_slice %arg2[%dma_wait3A_172, %dma_wait3A_173] : memref<2609152x32xf32, #tpu.memory_space<hbm>> -> memref<2609152x32xf32, #tpu.memory_space<hbm>>
      tpu.wait_indirect_dma semaphore(%arg7 : memref<!tpu.dma_semaphore, #tpu.memory_space<semaphore_mem>>) src(%dma_wait3A_174 : memref<2609152x32xf32, #tpu.memory_space<hbm>>) dst(%dma_wait3A_168 : memref<128x32xf32, #tpu.memory_space<vmem>>)
      "tpu.region"() ({
        %run_scoped3A = tpu.sem_alloc : memref<!tpu.dma_semaphore, #tpu.memory_space<semaphore_mem>>
        %dma_start3A_175 = arith.constant 0 : i32
        %dma_start3A_176 = tpu.memref_slice %arg4[%add3A_13, %dma_start3A_175] : memref<425984x32xf32, #tpu.memory_space<hbm>> -> memref<1024x32xf32, #tpu.memory_space<hbm>>
        %dma_start3A_177 = arith.constant 0 : i32
        %dma_start3A_178 = tpu.memref_slice %arg4[%add3A_13, %dma_start3A_177] : memref<425984x32xf32, #tpu.memory_space<hbm>> -> memref<1024x32xf32, #tpu.memory_space<hbm>>
        tpu.enqueue_dma source(%arg6 : memref<1024x32xf32, #tpu.memory_space<vmem>>) target(%dma_start3A_178 : memref<1024x32xf32, #tpu.memory_space<hbm>>) target_semaphore(%run_scoped3A : memref<!tpu.dma_semaphore, #tpu.memory_space<semaphore_mem>>)
        %dma_wait3A_179 = arith.constant 0 : i32
        %dma_wait3A_180 = tpu.memref_slice %arg4[%add3A_13, %dma_wait3A_179] : memref<425984x32xf32, #tpu.memory_space<hbm>> -> memref<1024x32xf32, #tpu.memory_space<hbm>>
        %dma_wait3A_181 = arith.constant 0 : i32
        %dma_wait3A_182 = tpu.memref_slice %arg4[%add3A_13, %dma_wait3A_181] : memref<425984x32xf32, #tpu.memory_space<hbm>> -> memref<1024x32xf32, #tpu.memory_space<hbm>>
        tpu.wait_dma2 semaphore(%run_scoped3A : memref<!tpu.dma_semaphore, #tpu.memory_space<semaphore_mem>>) src(%arg6 : memref<1024x32xf32, #tpu.memory_space<vmem>>) dst(%dma_wait3A_182 : memref<1024x32xf32, #tpu.memory_space<hbm>>)
        tpu.yield
      }) : () -> ()
    }
    %scan3A_9 = arith.constant 13 : i32
    return
  }
}

module attributes {stable_mosaic.version = 14 : i64} {
  func.func @_trans_body(%arg0: i32, %arg1: i32, %arg2: memref<1x32x100000xf32, #tpu.memory_space<vmem>>, %arg3: memref<3584x128xf32, #tpu.memory_space<vmem>>) attributes {dimension_semantics = [#tpu.dimension_semantics<arbitrary>, #tpu.dimension_semantics<arbitrary>], iteration_bounds = array<i64: 26, 7>, scalar_prefetch = 0 : i64, scratch_operands = 0 : i64, tpu.core_type = #tpu.core_type<tc>, window_params = [{transform_indices = @transform_0, window_bounds = array<i64: 1, 32, 100000>}, {transform_indices = @transform_1, window_bounds = array<i64: 3584, 128>}]} {
    %eq3A = arith.constant 0 : i32
    %eq3A_0 = arith.cmpi eq, %arg1, %eq3A : i32
    %convert_element_type3A = arith.extui %eq3A_0 : i1 to i32
    %cond3A = arith.constant 0 : i32
    %cond3A_1 = arith.cmpi ne, %convert_element_type3A, %cond3A : i32
    scf.if %cond3A_1 {
      %get3A = arith.constant 0 : index
      %get3A_32 = arith.constant 0 : index
      %get3A_33 = arith.constant 0 : index
      %get3A_34 = vector.load %arg2[%get3A, %get3A_32, %get3A_33] : memref<1x32x100000xf32, #tpu.memory_space<vmem>>, vector<1x32x3584xf32>
      %get3A_35 = vector.shape_cast %get3A_34 : vector<1x32x3584xf32> to vector<32x3584xf32>
      %get3A_36 = arith.constant 0 : index
      %get3A_37 = arith.constant 0 : index
      %get3A_38 = arith.constant 25088 : index
      %get3A_39 = vector.load %arg2[%get3A_36, %get3A_37, %get3A_38] : memref<1x32x100000xf32, #tpu.memory_space<vmem>>, vector<1x32x3584xf32>
      %get3A_40 = vector.shape_cast %get3A_39 : vector<1x32x3584xf32> to vector<32x3584xf32>
      %get3A_41 = arith.constant 0 : index
      %get3A_42 = arith.constant 0 : index
      %get3A_43 = arith.constant 50176 : index
      %get3A_44 = vector.load %arg2[%get3A_41, %get3A_42, %get3A_43] : memref<1x32x100000xf32, #tpu.memory_space<vmem>>, vector<1x32x3584xf32>
      %get3A_45 = vector.shape_cast %get3A_44 : vector<1x32x3584xf32> to vector<32x3584xf32>
      %get3A_46 = arith.constant 0 : index
      %get3A_47 = arith.constant 0 : index
      %get3A_48 = arith.constant 75264 : index
      %get3A_49 = vector.load %arg2[%get3A_46, %get3A_47, %get3A_48] : memref<1x32x100000xf32, #tpu.memory_space<vmem>>, vector<1x32x3584xf32>
      %get3A_50 = vector.shape_cast %get3A_49 : vector<1x32x3584xf32> to vector<32x3584xf32>
      %concatenate3A = tpu.concatenate %get3A_35, %get3A_40, %get3A_45, %get3A_50 in 0 : vector<32x3584xf32>, vector<32x3584xf32>, vector<32x3584xf32>, vector<32x3584xf32> -> vector<128x3584xf32>
      %transpose3A = tpu.transpose %concatenate3A, [1, 0] : vector<128x3584xf32> -> vector<3584x128xf32>
      %swap3A = arith.constant 0 : index
      %swap3A_51 = arith.constant 0 : index
      %swap3A_52 = vector.load %arg3[%swap3A, %swap3A_51] : memref<3584x128xf32, #tpu.memory_space<vmem>>, vector<3584x128xf32>
      tpu.vector_store %arg3[%swap3A, %swap3A_51], %transpose3A {strides = array<i32>} : memref<3584x128xf32, #tpu.memory_space<vmem>>, vector<3584x128xf32>,
    } else {
    }
    %eq3A_2 = arith.constant 1 : i32
    %eq3A_3 = arith.cmpi eq, %arg1, %eq3A_2 : i32
    %convert_element_type3A_4 = arith.extui %eq3A_3 : i1 to i32
    %cond3A_5 = arith.constant 0 : i32
    %cond3A_6 = arith.cmpi ne, %convert_element_type3A_4, %cond3A_5 : i32
    scf.if %cond3A_6 {
      %get3A = arith.constant 0 : index
      %get3A_32 = arith.constant 0 : index
      %get3A_33 = arith.constant 3584 : index
      %get3A_34 = vector.load %arg2[%get3A, %get3A_32, %get3A_33] : memref<1x32x100000xf32, #tpu.memory_space<vmem>>, vector<1x32x3584xf32>
      %get3A_35 = vector.shape_cast %get3A_34 : vector<1x32x3584xf32> to vector<32x3584xf32>
      %get3A_36 = arith.constant 0 : index
      %get3A_37 = arith.constant 0 : index
      %get3A_38 = arith.constant 28672 : index
      %get3A_39 = vector.load %arg2[%get3A_36, %get3A_37, %get3A_38] : memref<1x32x100000xf32, #tpu.memory_space<vmem>>, vector<1x32x3584xf32>
      %get3A_40 = vector.shape_cast %get3A_39 : vector<1x32x3584xf32> to vector<32x3584xf32>
      %get3A_41 = arith.constant 0 : index
      %get3A_42 = arith.constant 0 : index
      %get3A_43 = arith.constant 53760 : index
      %get3A_44 = vector.load %arg2[%get3A_41, %get3A_42, %get3A_43] : memref<1x32x100000xf32, #tpu.memory_space<vmem>>, vector<1x32x3584xf32>
      %get3A_45 = vector.shape_cast %get3A_44 : vector<1x32x3584xf32> to vector<32x3584xf32>
      %get3A_46 = arith.constant 0 : index
      %get3A_47 = arith.constant 0 : index
      %get3A_48 = arith.constant 78848 : index
      %get3A_49 = vector.load %arg2[%get3A_46, %get3A_47, %get3A_48] : memref<1x32x100000xf32, #tpu.memory_space<vmem>>, vector<1x32x3584xf32>
      %get3A_50 = vector.shape_cast %get3A_49 : vector<1x32x3584xf32> to vector<32x3584xf32>
      %concatenate3A = tpu.concatenate %get3A_35, %get3A_40, %get3A_45, %get3A_50 in 0 : vector<32x3584xf32>, vector<32x3584xf32>, vector<32x3584xf32>, vector<32x3584xf32> -> vector<128x3584xf32>
      %transpose3A = tpu.transpose %concatenate3A, [1, 0] : vector<128x3584xf32> -> vector<3584x128xf32>
      %swap3A = arith.constant 0 : index
      %swap3A_51 = arith.constant 0 : index
      %swap3A_52 = vector.load %arg3[%swap3A, %swap3A_51] : memref<3584x128xf32, #tpu.memory_space<vmem>>, vector<3584x128xf32>
      tpu.vector_store %arg3[%swap3A, %swap3A_51], %transpose3A {strides = array<i32>} : memref<3584x128xf32, #tpu.memory_space<vmem>>, vector<3584x128xf32>,
    } else {
    }
    %eq3A_7 = arith.constant 2 : i32
    %eq3A_8 = arith.cmpi eq, %arg1, %eq3A_7 : i32
    %convert_element_type3A_9 = arith.extui %eq3A_8 : i1 to i32
    %cond3A_10 = arith.constant 0 : i32
    %cond3A_11 = arith.cmpi ne, %convert_element_type3A_9, %cond3A_10 : i32
    scf.if %cond3A_11 {
      %get3A = arith.constant 0 : index
      %get3A_32 = arith.constant 0 : index
      %get3A_33 = arith.constant 7168 : index
      %get3A_34 = vector.load %arg2[%get3A, %get3A_32, %get3A_33] : memref<1x32x100000xf32, #tpu.memory_space<vmem>>, vector<1x32x3584xf32>
      %get3A_35 = vector.shape_cast %get3A_34 : vector<1x32x3584xf32> to vector<32x3584xf32>
      %get3A_36 = arith.constant 0 : index
      %get3A_37 = arith.constant 0 : index
      %get3A_38 = arith.constant 32256 : index
      %get3A_39 = vector.load %arg2[%get3A_36, %get3A_37, %get3A_38] : memref<1x32x100000xf32, #tpu.memory_space<vmem>>, vector<1x32x3584xf32>
      %get3A_40 = vector.shape_cast %get3A_39 : vector<1x32x3584xf32> to vector<32x3584xf32>
      %get3A_41 = arith.constant 0 : index
      %get3A_42 = arith.constant 0 : index
      %get3A_43 = arith.constant 57344 : index
      %get3A_44 = vector.load %arg2[%get3A_41, %get3A_42, %get3A_43] : memref<1x32x100000xf32, #tpu.memory_space<vmem>>, vector<1x32x3584xf32>
      %get3A_45 = vector.shape_cast %get3A_44 : vector<1x32x3584xf32> to vector<32x3584xf32>
      %get3A_46 = arith.constant 0 : index
      %get3A_47 = arith.constant 0 : index
      %get3A_48 = arith.constant 82432 : index
      %get3A_49 = vector.load %arg2[%get3A_46, %get3A_47, %get3A_48] : memref<1x32x100000xf32, #tpu.memory_space<vmem>>, vector<1x32x3584xf32>
      %get3A_50 = vector.shape_cast %get3A_49 : vector<1x32x3584xf32> to vector<32x3584xf32>
      %concatenate3A = tpu.concatenate %get3A_35, %get3A_40, %get3A_45, %get3A_50 in 0 : vector<32x3584xf32>, vector<32x3584xf32>, vector<32x3584xf32>, vector<32x3584xf32> -> vector<128x3584xf32>
      %transpose3A = tpu.transpose %concatenate3A, [1, 0] : vector<128x3584xf32> -> vector<3584x128xf32>
      %swap3A = arith.constant 0 : index
      %swap3A_51 = arith.constant 0 : index
      %swap3A_52 = vector.load %arg3[%swap3A, %swap3A_51] : memref<3584x128xf32, #tpu.memory_space<vmem>>, vector<3584x128xf32>
      tpu.vector_store %arg3[%swap3A, %swap3A_51], %transpose3A {strides = array<i32>} : memref<3584x128xf32, #tpu.memory_space<vmem>>, vector<3584x128xf32>,
    } else {
    }
    %eq3A_12 = arith.constant 3 : i32
    %eq3A_13 = arith.cmpi eq, %arg1, %eq3A_12 : i32
    %convert_element_type3A_14 = arith.extui %eq3A_13 : i1 to i32
    %cond3A_15 = arith.constant 0 : i32
    %cond3A_16 = arith.cmpi ne, %convert_element_type3A_14, %cond3A_15 : i32
    scf.if %cond3A_16 {
      %get3A = arith.constant 0 : index
      %get3A_32 = arith.constant 0 : index
      %get3A_33 = arith.constant 10752 : index
      %get3A_34 = vector.load %arg2[%get3A, %get3A_32, %get3A_33] : memref<1x32x100000xf32, #tpu.memory_space<vmem>>, vector<1x32x3584xf32>
      %get3A_35 = vector.shape_cast %get3A_34 : vector<1x32x3584xf32> to vector<32x3584xf32>
      %get3A_36 = arith.constant 0 : index
      %get3A_37 = arith.constant 0 : index
      %get3A_38 = arith.constant 35840 : index
      %get3A_39 = vector.load %arg2[%get3A_36, %get3A_37, %get3A_38] : memref<1x32x100000xf32, #tpu.memory_space<vmem>>, vector<1x32x3584xf32>
      %get3A_40 = vector.shape_cast %get3A_39 : vector<1x32x3584xf32> to vector<32x3584xf32>
      %get3A_41 = arith.constant 0 : index
      %get3A_42 = arith.constant 0 : index
      %get3A_43 = arith.constant 60928 : index
      %get3A_44 = vector.load %arg2[%get3A_41, %get3A_42, %get3A_43] : memref<1x32x100000xf32, #tpu.memory_space<vmem>>, vector<1x32x3584xf32>
      %get3A_45 = vector.shape_cast %get3A_44 : vector<1x32x3584xf32> to vector<32x3584xf32>
      %get3A_46 = arith.constant 0 : index
      %get3A_47 = arith.constant 0 : index
      %get3A_48 = arith.constant 86016 : index
      %get3A_49 = vector.load %arg2[%get3A_46, %get3A_47, %get3A_48] : memref<1x32x100000xf32, #tpu.memory_space<vmem>>, vector<1x32x3584xf32>
      %get3A_50 = vector.shape_cast %get3A_49 : vector<1x32x3584xf32> to vector<32x3584xf32>
      %concatenate3A = tpu.concatenate %get3A_35, %get3A_40, %get3A_45, %get3A_50 in 0 : vector<32x3584xf32>, vector<32x3584xf32>, vector<32x3584xf32>, vector<32x3584xf32> -> vector<128x3584xf32>
      %transpose3A = tpu.transpose %concatenate3A, [1, 0] : vector<128x3584xf32> -> vector<3584x128xf32>
      %swap3A = arith.constant 0 : index
      %swap3A_51 = arith.constant 0 : index
      %swap3A_52 = vector.load %arg3[%swap3A, %swap3A_51] : memref<3584x128xf32, #tpu.memory_space<vmem>>, vector<3584x128xf32>
      tpu.vector_store %arg3[%swap3A, %swap3A_51], %transpose3A {strides = array<i32>} : memref<3584x128xf32, #tpu.memory_space<vmem>>, vector<3584x128xf32>,
    } else {
    }
    %eq3A_17 = arith.constant 4 : i32
    %eq3A_18 = arith.cmpi eq, %arg1, %eq3A_17 : i32
    %convert_element_type3A_19 = arith.extui %eq3A_18 : i1 to i32
    %cond3A_20 = arith.constant 0 : i32
    %cond3A_21 = arith.cmpi ne, %convert_element_type3A_19, %cond3A_20 : i32
    scf.if %cond3A_21 {
      %get3A = arith.constant 0 : index
      %get3A_32 = arith.constant 0 : index
      %get3A_33 = arith.constant 14336 : index
      %get3A_34 = vector.load %arg2[%get3A, %get3A_32, %get3A_33] : memref<1x32x100000xf32, #tpu.memory_space<vmem>>, vector<1x32x3584xf32>
      %get3A_35 = vector.shape_cast %get3A_34 : vector<1x32x3584xf32> to vector<32x3584xf32>
      %get3A_36 = arith.constant 0 : index
      %get3A_37 = arith.constant 0 : index
      %get3A_38 = arith.constant 39424 : index
      %get3A_39 = vector.load %arg2[%get3A_36, %get3A_37, %get3A_38] : memref<1x32x100000xf32, #tpu.memory_space<vmem>>, vector<1x32x3584xf32>
      %get3A_40 = vector.shape_cast %get3A_39 : vector<1x32x3584xf32> to vector<32x3584xf32>
      %get3A_41 = arith.constant 0 : index
      %get3A_42 = arith.constant 0 : index
      %get3A_43 = arith.constant 64512 : index
      %get3A_44 = vector.load %arg2[%get3A_41, %get3A_42, %get3A_43] : memref<1x32x100000xf32, #tpu.memory_space<vmem>>, vector<1x32x3584xf32>
      %get3A_45 = vector.shape_cast %get3A_44 : vector<1x32x3584xf32> to vector<32x3584xf32>
      %get3A_46 = arith.constant 0 : index
      %get3A_47 = arith.constant 0 : index
      %get3A_48 = arith.constant 89600 : index
      %get3A_49 = vector.load %arg2[%get3A_46, %get3A_47, %get3A_48] : memref<1x32x100000xf32, #tpu.memory_space<vmem>>, vector<1x32x3584xf32>
      %get3A_50 = vector.shape_cast %get3A_49 : vector<1x32x3584xf32> to vector<32x3584xf32>
      %concatenate3A = tpu.concatenate %get3A_35, %get3A_40, %get3A_45, %get3A_50 in 0 : vector<32x3584xf32>, vector<32x3584xf32>, vector<32x3584xf32>, vector<32x3584xf32> -> vector<128x3584xf32>
      %transpose3A = tpu.transpose %concatenate3A, [1, 0] : vector<128x3584xf32> -> vector<3584x128xf32>
      %swap3A = arith.constant 0 : index
      %swap3A_51 = arith.constant 0 : index
      %swap3A_52 = vector.load %arg3[%swap3A, %swap3A_51] : memref<3584x128xf32, #tpu.memory_space<vmem>>, vector<3584x128xf32>
      tpu.vector_store %arg3[%swap3A, %swap3A_51], %transpose3A {strides = array<i32>} : memref<3584x128xf32, #tpu.memory_space<vmem>>, vector<3584x128xf32>,
    } else {
    }
    %eq3A_22 = arith.constant 5 : i32
    %eq3A_23 = arith.cmpi eq, %arg1, %eq3A_22 : i32
    %convert_element_type3A_24 = arith.extui %eq3A_23 : i1 to i32
    %cond3A_25 = arith.constant 0 : i32
    %cond3A_26 = arith.cmpi ne, %convert_element_type3A_24, %cond3A_25 : i32
    scf.if %cond3A_26 {
      %get3A = arith.constant 0 : index
      %get3A_32 = arith.constant 0 : index
      %get3A_33 = arith.constant 17920 : index
      %get3A_34 = vector.load %arg2[%get3A, %get3A_32, %get3A_33] : memref<1x32x100000xf32, #tpu.memory_space<vmem>>, vector<1x32x3584xf32>
      %get3A_35 = vector.shape_cast %get3A_34 : vector<1x32x3584xf32> to vector<32x3584xf32>
      %get3A_36 = arith.constant 0 : index
      %get3A_37 = arith.constant 0 : index
      %get3A_38 = arith.constant 43008 : index
      %get3A_39 = vector.load %arg2[%get3A_36, %get3A_37, %get3A_38] : memref<1x32x100000xf32, #tpu.memory_space<vmem>>, vector<1x32x3584xf32>
      %get3A_40 = vector.shape_cast %get3A_39 : vector<1x32x3584xf32> to vector<32x3584xf32>
      %get3A_41 = arith.constant 0 : index
      %get3A_42 = arith.constant 0 : index
      %get3A_43 = arith.constant 68096 : index
      %get3A_44 = vector.load %arg2[%get3A_41, %get3A_42, %get3A_43] : memref<1x32x100000xf32, #tpu.memory_space<vmem>>, vector<1x32x3584xf32>
      %get3A_45 = vector.shape_cast %get3A_44 : vector<1x32x3584xf32> to vector<32x3584xf32>
      %get3A_46 = arith.constant 0 : index
      %get3A_47 = arith.constant 0 : index
      %get3A_48 = arith.constant 93184 : index
      %get3A_49 = vector.load %arg2[%get3A_46, %get3A_47, %get3A_48] : memref<1x32x100000xf32, #tpu.memory_space<vmem>>, vector<1x32x3584xf32>
      %get3A_50 = vector.shape_cast %get3A_49 : vector<1x32x3584xf32> to vector<32x3584xf32>
      %concatenate3A = tpu.concatenate %get3A_35, %get3A_40, %get3A_45, %get3A_50 in 0 : vector<32x3584xf32>, vector<32x3584xf32>, vector<32x3584xf32>, vector<32x3584xf32> -> vector<128x3584xf32>
      %transpose3A = tpu.transpose %concatenate3A, [1, 0] : vector<128x3584xf32> -> vector<3584x128xf32>
      %swap3A = arith.constant 0 : index
      %swap3A_51 = arith.constant 0 : index
      %swap3A_52 = vector.load %arg3[%swap3A, %swap3A_51] : memref<3584x128xf32, #tpu.memory_space<vmem>>, vector<3584x128xf32>
      tpu.vector_store %arg3[%swap3A, %swap3A_51], %transpose3A {strides = array<i32>} : memref<3584x128xf32, #tpu.memory_space<vmem>>, vector<3584x128xf32>,
    } else {
    }
    %eq3A_27 = arith.constant 6 : i32
    %eq3A_28 = arith.cmpi eq, %arg1, %eq3A_27 : i32
    %convert_element_type3A_29 = arith.extui %eq3A_28 : i1 to i32
    %cond3A_30 = arith.constant 0 : i32
    %cond3A_31 = arith.cmpi ne, %convert_element_type3A_29, %cond3A_30 : i32
    scf.if %cond3A_31 {
      %get3A = arith.constant 0 : index
      %get3A_32 = arith.constant 0 : index
      %get3A_33 = arith.constant 21504 : index
      %get3A_34 = vector.load %arg2[%get3A, %get3A_32, %get3A_33] : memref<1x32x100000xf32, #tpu.memory_space<vmem>>, vector<1x32x3584xf32>
      %get3A_35 = vector.shape_cast %get3A_34 : vector<1x32x3584xf32> to vector<32x3584xf32>
      %get3A_36 = arith.constant 0 : index
      %get3A_37 = arith.constant 0 : index
      %get3A_38 = arith.constant 46592 : index
      %get3A_39 = vector.load %arg2[%get3A_36, %get3A_37, %get3A_38] : memref<1x32x100000xf32, #tpu.memory_space<vmem>>, vector<1x32x3584xf32>
      %get3A_40 = vector.shape_cast %get3A_39 : vector<1x32x3584xf32> to vector<32x3584xf32>
      %get3A_41 = arith.constant 0 : index
      %get3A_42 = arith.constant 0 : index
      %get3A_43 = arith.constant 71680 : index
      %get3A_44 = vector.load %arg2[%get3A_41, %get3A_42, %get3A_43] : memref<1x32x100000xf32, #tpu.memory_space<vmem>>, vector<1x32x3584xf32>
      %get3A_45 = vector.shape_cast %get3A_44 : vector<1x32x3584xf32> to vector<32x3584xf32>
      %get3A_46 = arith.constant 0 : index
      %get3A_47 = arith.constant 0 : index
      %get3A_48 = arith.constant 96768 : index
      %get3A_49 = vector.load %arg2[%get3A_46, %get3A_47, %get3A_48] : memref<1x32x100000xf32, #tpu.memory_space<vmem>>, vector<1x32x3232xf32>
      %get3A_50 = vector.shape_cast %get3A_49 : vector<1x32x3232xf32> to vector<32x3232xf32>
      %broadcast_in_dim3A = arith.constant 0.000000e+00 : f32
      %broadcast_in_dim3A_51 = vector.broadcast %broadcast_in_dim3A : f32 to vector<32x352xf32>
      %concatenate3A = tpu.concatenate %get3A_50, %broadcast_in_dim3A_51 in 1 : vector<32x3232xf32>, vector<32x352xf32> -> vector<32x3584xf32>
      %concatenate3A_52 = tpu.concatenate %get3A_35, %get3A_40, %get3A_45, %concatenate3A in 0 : vector<32x3584xf32>, vector<32x3584xf32>, vector<32x3584xf32>, vector<32x3584xf32> -> vector<128x3584xf32>
      %transpose3A = tpu.transpose %concatenate3A_52, [1, 0] : vector<128x3584xf32> -> vector<3584x128xf32>
      %swap3A = arith.constant 0 : index
      %swap3A_53 = arith.constant 0 : index
      %swap3A_54 = vector.load %arg3[%swap3A, %swap3A_53] : memref<3584x128xf32, #tpu.memory_space<vmem>>, vector<3584x128xf32>
      tpu.vector_store %arg3[%swap3A, %swap3A_53], %transpose3A {strides = array<i32>} : memref<3584x128xf32, #tpu.memory_space<vmem>>, vector<3584x128xf32>,
    } else {
    }
    return
  }
  func.func @transform_0(%arg0: i32, %arg1: i32) -> (i32, i32, i32) {
    %c0_i32 = arith.constant 0 : i32
    %c0_i32_0 = arith.constant 0 : i32
    %c0_i32_1 = arith.constant 0 : i32
    return %arg0, %c0_i32, %c0_i32_0 : i32, i32, i32
  }
  func.func @transform_1(%arg0: i32, %arg1: i32) -> (i32, i32) {
    %mul3A = arith.constant 7 : i32
    %mul3A_0 = arith.muli %arg0, %mul3A : i32
    %add3A = arith.addi %mul3A_0, %arg1 : i32
    %c0_i32 = arith.constant 0 : i32
    %c0_i32_1 = arith.constant 0 : i32
    return %add3A, %c0_i32 : i32, i32
  }
}

module attributes {stable_mosaic.version = 14 : i64} {
  func.func @_mm_body(%arg0: i32, %arg1: memref<1024x16xf32, #tpu.memory_space<vmem>>, %arg2: memref<1024x832xf32, #tpu.memory_space<vmem>>, %arg3: memref<16x64xf32, #tpu.memory_space<vmem>>, %arg4: memref<1x64xf32, #tpu.memory_space<vmem>>, %arg5: memref<896x128xf32, #tpu.memory_space<vmem>>, %arg6: memref<1x128xf32, #tpu.memory_space<vmem>>, %arg7: memref<1024x128xf32, #tpu.memory_space<vmem>>) attributes {dimension_semantics = [#tpu.dimension_semantics<arbitrary>], iteration_bounds = array<i64: 16>, scalar_prefetch = 0 : i64, scratch_operands = 0 : i64, tpu.core_type = #tpu.core_type<tc>, window_params = [{transform_indices = @transform_0, window_bounds = array<i64: 1024, 16>}, {transform_indices = @transform_1, window_bounds = array<i64: 1024, 832>}, {pipeline_mode = #tpu.pipeline_mode<synchronous>, transform_indices = @transform_2, window_bounds = array<i64: 16, 64>}, {pipeline_mode = #tpu.pipeline_mode<synchronous>, transform_indices = @transform_3, window_bounds = array<i64: 1, 64>}, {pipeline_mode = #tpu.pipeline_mode<synchronous>, transform_indices = @transform_4, window_bounds = array<i64: 896, 128>}, {pipeline_mode = #tpu.pipeline_mode<synchronous>, transform_indices = @transform_5, window_bounds = array<i64: 1, 128>}, {transform_indices = @transform_6, window_bounds = array<i64: 1024, 128>}]} {
    %get3A = arith.constant 0 : index
    %get3A_0 = arith.constant 0 : index
    %get3A_1 = vector.load %arg1[%get3A, %get3A_0] : memref<1024x16xf32, #tpu.memory_space<vmem>>, vector<1024x16xf32>
    %get3A_2 = arith.constant 0 : index
    %get3A_3 = arith.constant 0 : index
    %get3A_4 = vector.load %arg3[%get3A_2, %get3A_3] : memref<16x64xf32, #tpu.memory_space<vmem>>, vector<16x64xf32>
    %dot_general3A = arith.constant dense<0.000000e+00> : vector<1024x64xf32>
    %dot_general3A_5 = tpu.matmul %get3A_1, %get3A_4, %dot_general3A {dimension_numbers = #tpu.dot_dimension_numbers<[1], [0], [0], [1], [0, 0, 1, 1], [], []>, transpose_lhs_hint = false} : vector<1024x16xf32>, vector<16x64xf32>, vector<1024x64xf32> -> vector<1024x64xf32>
    %get3A_6 = arith.constant 0 : index
    %get3A_7 = arith.constant 0 : index
    %get3A_8 = vector.load %arg4[%get3A_6, %get3A_7] : memref<1x64xf32, #tpu.memory_space<vmem>>, vector<1x64xf32>
    %add3A = vector.broadcast %get3A_8 : vector<1x64xf32> to vector<1024x64xf32>
    %add3A_9 = arith.addf %dot_general3A_5, %add3A : vector<1024x64xf32>
    %get3A_10 = arith.constant 0 : index
    %get3A_11 = arith.constant 0 : index
    %get3A_12 = vector.load %arg2[%get3A_10, %get3A_11] : memref<1024x832xf32, #tpu.memory_space<vmem>>, vector<1024x832xf32>
    %concatenate3A = tpu.concatenate %add3A_9, %get3A_12 in 1 : vector<1024x64xf32>, vector<1024x832xf32> -> vector<1024x896xf32>
    %get3A_13 = arith.constant 0 : index
    %get3A_14 = arith.constant 0 : index
    %get3A_15 = vector.load %arg5[%get3A_13, %get3A_14] : memref<896x128xf32, #tpu.memory_space<vmem>>, vector<896x128xf32>
    %dot_general3A_16 = arith.constant dense<0.000000e+00> : vector<1024x128xf32>
    %dot_general3A_17 = tpu.matmul %concatenate3A, %get3A_15, %dot_general3A_16 {dimension_numbers = #tpu.dot_dimension_numbers<[1], [0], [0], [1], [0, 0, 1, 1], [], []>, transpose_lhs_hint = false} : vector<1024x896xf32>, vector<896x128xf32>, vector<1024x128xf32> -> vector<1024x128xf32>
    %get3A_18 = arith.constant 0 : index
    %get3A_19 = arith.constant 0 : index
    %get3A_20 = vector.load %arg6[%get3A_18, %get3A_19] : memref<1x128xf32, #tpu.memory_space<vmem>>, vector<1x128xf32>
    %add3A_21 = vector.broadcast %get3A_20 : vector<1x128xf32> to vector<1024x128xf32>
    %add3A_22 = arith.addf %dot_general3A_17, %add3A_21 : vector<1024x128xf32>
    %swap3A = arith.constant 0 : index
    %swap3A_23 = arith.constant 0 : index
    %swap3A_24 = vector.load %arg7[%swap3A, %swap3A_23] : memref<1024x128xf32, #tpu.memory_space<vmem>>, vector<1024x128xf32>
    tpu.vector_store %arg7[%swap3A, %swap3A_23], %add3A_22 {strides = array<i32>} : memref<1024x128xf32, #tpu.memory_space<vmem>>, vector<1024x128xf32>,
    return
  }
  func.func @transform_0(%arg0: i32) -> (i32, i32) {
    %c0_i32 = arith.constant 0 : i32
    %c0_i32_0 = arith.constant 0 : i32
    return %arg0, %c0_i32 : i32, i32
  }
  func.func @transform_1(%arg0: i32) -> (i32, i32) {
    %c0_i32 = arith.constant 0 : i32
    %c0_i32_0 = arith.constant 0 : i32
    return %arg0, %c0_i32 : i32, i32
  }
  func.func @transform_2(%arg0: i32) -> (i32, i32) {
    %c0_i32 = arith.constant 0 : i32
    %c0_i32_0 = arith.constant 0 : i32
    %c0_i32_1 = arith.constant 0 : i32
    return %c0_i32, %c0_i32_0 : i32, i32
  }
  func.func @transform_3(%arg0: i32) -> (i32, i32) {
    %c0_i32 = arith.constant 0 : i32
    %c0_i32_0 = arith.constant 0 : i32
    %c0_i32_1 = arith.constant 0 : i32
    return %c0_i32, %c0_i32_0 : i32, i32
  }
  func.func @transform_4(%arg0: i32) -> (i32, i32) {
    %c0_i32 = arith.constant 0 : i32
    %c0_i32_0 = arith.constant 0 : i32
    %c0_i32_1 = arith.constant 0 : i32
    return %c0_i32, %c0_i32_0 : i32, i32
  }
  func.func @transform_5(%arg0: i32) -> (i32, i32) {
    %c0_i32 = arith.constant 0 : i32
    %c0_i32_0 = arith.constant 0 : i32
    %c0_i32_1 = arith.constant 0 : i32
    return %c0_i32, %c0_i32_0 : i32, i32
  }
  func.func @transform_6(%arg0: i32) -> (i32, i32) {
    %c0_i32 = arith.constant 0 : i32
    %c0_i32_0 = arith.constant 0 : i32
    return %arg0, %c0_i32 : i32, i32
  }
}

</mosaic_0001>

<sc_bundles>
// kernel: kernel.5.cloned.1.call-start
scs
__scs_entry_jumppad:
0x0: {  	(pc) =	sbr.rel $0x88, $3  }
0x1: {  	(tag) =	ssettag $0x0;
	lr =	simm.s32 $0x1  }
0x2: {  	[smem:$0x3F9A] =	sst lr;
	_ =	strace $0xD0000000  }
0x3: {  	_ = 	snop  }
0x4: {  	_ = 	snop  }
0x5: {  	_ = 	snop  }
0x6: {  	_ = 	snop  }
0x7: {  	_ = 	snop  }
__scs_overlays_trampoline_lowered:
0x8: {  	[smem:$0x3FA9] =	sst s0  }
0x9: {  	[smem:$0x3FAA] =	sst s1  }
0xa: {  	[smem:$0x3FAB] =	sst s2  }
0xb: {  	[smem:$0x3FAC] =	sst s3  }
0xc: {  	[smem:$0x3FAD] =	sst s4  }
0xd: {  	[smem:$0x3FAE] =	sst s5  }
0xe: {  	[smem:$0x3FAF] =	sst s6  }
0xf: {  	[smem:$0x3FB0] =	sst s7  }
0x10: {  	[smem:$0x3FB1] =	sst s8  }
0x11: {  	[smem:$0x3FB2] =	sst s9;
	s0 =	simm.s32 @!p0 $0x0  }
0x12: {  	s1 =	sld [smem:$0x3F98];
	s0 =	simm.s32 @p0 $0x1  }
0x13: {  	[smem:$0x3FB3] =	sst s0;
	s0 =	simm.s32 @!p1 $0x0  }
0x14: {  	s2 =	sld [smem:$0x3F97];
	s0 =	simm.s32 @p1 $0x1  }
0x15: {  	[smem:$0x3FB4] =	sst s0;
	s0 =	simm.s32 @!p2 $0x0  }
0x16: {  	s3 =	sld [smem:$0x3FDB];
	s0 =	simm.s32 @p2 $0x1  }
0x17: {  	s4 =	simm.s32 $0x1BF5;
	[smem:$0x3FB6] =	sst s0  }
0x18: {  	s0 =	sld [smem:$0x3F99];
	_ =	swait.ge [sflag:s4], $0x0  }
0x19: {  	s7 =	sld [smem:$0x3F9A]  }
0x1a: {  	s8 =	sadd.s32 $0xFFFFE003, lr  }
0x1b: {  	s9 =	sadd.s32 $0xFFFFFEF7, lr;
	s5 =	simm.s32 $0xFFFFFFFF;
	p2 =	slt.u32 s8, $0xFFFFF086  }
0x1c: {  	p1 =	slt.u32 s9, $0xF7A;
	s5 =	simm.s32 @!p2 $0x0  }
0x1d: {  	s5 =	simm.s32 @p1 $0x1;
	p0 =	seq.s32 s7, s2  }
0x1e: {  	s7 =	smul.u32 @!p0 $0xF7A, s2;
	p2 =	seq.s32 @!p0 s5, $0x0  }
0x1f: {  	s9 =	smul.u32 $0xF7A, s1;
	s8 =	simm.s32 @!p0 $0x1BF5;
	p2 =	por !p2, p0  }
0x20: {  	[sflag:s8] =	ssyncset.s32 @!p0 $0xFFFFF086;
	s6 =	sadd.s32 @!p0 s3, s7;
	s7 =	simm.s32 @!p0 $0x108  }
0x21: {  	s3 =	sadd.s32 s3, s9;
	s6 =	sadd.s32 @!p0 $0x88, s6;
	s7 =	simm.s32 @p2 $0x1082  }
0x22: {  	[simem:s7], [sflag:s8] =	dma.local @!p0 [hbm:s6], $0xF7A  }
0x23: {  	s9 =	sor.u32 $0xD0000000, s2;
	s6 =	simm.s32 $0x108;
	_ =	swait.ge @!p0 [sflag:s8], $0x0  }
0x24: {  	s3 =	sadd.s32 $0x88, s3;
	s6 =	simm.s32 @!p1 $0x1082;
	[sflag:s4] =	ssyncset.s32 $0xFFFFF086  }
0x25: {  	[simem:s6], [sflag:s4] =	dma.local [hbm:s3], $0xF7A  }
0x26: {  	[smem:$0x3F9A] =	sst s1;
	(tag) =	ssettag s2;
	_ =	strace s9  }
0x27: {  	s1 =	sld [smem:$0x3FAA]  }
0x28: {  	s2 =	sld [smem:$0x3FAB]  }
0x29: {  	s4 =	sld [smem:$0x3FAD]  }
0x2a: {  	p0 =	seq.s32 s5, $0x0;
	s5 =	sld [smem:$0x3FAE]  }
0x2b: {  	s6 =	sld [smem:$0x3FAF]  }
0x2c: {  	s7 =	sld [smem:$0x3FB0]  }
0x2d: {  	s3 =	simm.s32 $0x108;
	s8 =	sld [smem:$0x3FB1]  }
0x2e: {  	s3 =	simm.s32 @!p0 $0x1082;
	s9 =	sld [smem:$0x3FB2]  }
0x2f: {  	lr =	sadd.s32 s0, s3;
	s0 =	sld [smem:$0x3FA9]  }
0x30: {  	s3 =	sld [smem:$0x3FAC]  }
0x31: {  	[smem:$0x3FB5] =	sst s10  }
0x32: {  	s10 =	sld [smem:$0x3FB3];
	_ =	sdelay $0x3  }
0x33: {  	p0 =	seq.s32 s10, $0x1;
	s10 =	sld [smem:$0x3FB5];
	_ =	sdelay $0x3  }
0x34: {  	[smem:$0x3FB5] =	sst s10  }
0x35: {  	s10 =	sld [smem:$0x3FB4];
	_ =	sdelay $0x3  }
0x36: {  	p1 =	seq.s32 s10, $0x1;
	s10 =	sld [smem:$0x3FB5];
	_ =	sdelay $0x3  }
0x37: {  	[smem:$0x3FB5] =	sst s10  }
0x38: {  	s10 =	sld [smem:$0x3FB6]  }
0x39: {  	_ = 	snop;
	(pc) =	sbr.ind lr, $3  }
0x3a: {  	_ = 	snop  }
0x3b: {  	_ = 	snop  }
0x3c: {  	p2 =	seq.s32 s10, $0x1;
	s10 =	sld [smem:$0x3FB5]  }
0x3d: {  	_ =	shalt  }
0x3e: {  	_ =	shalt  }
0x3f: {  	_ =	shalt  }
0x40: {  	_ =	shalt  }
0x41: {  	_ =	shalt  }
0x42: {  	_ =	shalt  }
0x43: {  	_ =	shalt  }
0x44: {  	_ =	shalt  }
0x45: {  	_ =	shalt  }
0x46: {  	_ =	shalt  }
0x47: {  	_ =	shalt  }
0x48: {  	_ =	shalt  }
0x49: {  	_ =	shalt  }
0x4a: {  	_ =	shalt  }
0x4b: {  	_ =	shalt  }
0x4c: {  	_ =	shalt  }
0x4d: {  	_ =	shalt  }
0x4e: {  	_ =	shalt  }
0x4f: {  	_ =	shalt  }
0x50: {  	_ =	shalt  }
0x51: {  	_ =	shalt  }
0x52: {  	_ =	shalt  }
0x53: {  	_ =	shalt  }
0x54: {  	_ =	shalt  }
0x55: {  	_ =	shalt  }
0x56: {  	_ =	shalt  }
0x57: {  	_ =	shalt  }
0x58: {  	_ =	shalt  }
0x59: {  	_ =	shalt  }
0x5a: {  	_ =	shalt  }
0x5b: {  	_ =	shalt  }
0x5c: {  	_ =	shalt  }
0x5d: {  	_ =	shalt  }
0x5e: {  	_ =	shalt  }
0x5f: {  	_ =	shalt  }
0x60: {  	_ =	shalt  }
0x61: {  	_ =	shalt  }
0x62: {  	_ =	shalt  }
0x63: {  	_ =	shalt  }
0x64: {  	_ =	shalt  }
0x65: {  	_ =	shalt  }
0x66: {  	_ =	shalt  }
0x67: {  	_ =	shalt  }
0x68: {  	_ =	shalt  }
0x69: {  	_ =	shalt  }
0x6a: {  	_ =	shalt  }
0x6b: {  	_ =	shalt  }
0x6c: {  	_ =	shalt  }
0x6d: {  	_ =	shalt  }
0x6e: {  	_ =	shalt  }
0x6f: {  	_ =	shalt  }
0x70: {  	_ =	shalt  }
0x71: {  	_ =	shalt  }
0x72: {  	_ =	shalt  }
0x73: {  	_ =	shalt  }
0x74: {  	_ =	shalt  }
0x75: {  	_ =	shalt  }
0x76: {  	_ =	shalt  }
0x77: {  	_ =	shalt  }
0x78: {  	_ =	shalt  }
0x79: {  	_ =	shalt  }
0x7a: {  	_ =	shalt  }
0x7b: {  	_ =	shalt  }
0x7c: {  	_ =	shalt  }
0x7d: {  	_ =	shalt  }
0x7e: {  	_ =	shalt  }
0x7f: {  	_ =	shalt  }
0x80: {  	_ =	shalt  }
0x81: {  	_ =	shalt  }
0x82: {  	_ =	shalt  }
0x83: {  	_ =	shalt  }
0x84: {  	_ =	shalt  }
0x85: {  	_ =	shalt  }
0x86: {  	_ =	shalt  }
0x87: {  	_ =	shalt  }
.Lfunc_end0:
.L_simem_size_0:
called_computation_lowered:
.L_overlay_start_0:
0x88: {  	s2 =	sld [smem:$0x3FD9]  }
0x89: {  	s3 =	sld [smem:$0x3FFE];
	_ =	sdelay $0x1  }
0x8a: {  	s1 =	srdreg.scid  }
0x8b: {  	s0 =	sand.u32 $0x1, s1  }
0x8c: {  	s17 =	sshll.u32 s0, $0xA;
	s2 =	sadd.s32 s3, s2  }
0x8d: {  	s2 =	sadd.s32 s2, s17  }
0x8e: {  	[smem:$0x3FC1] =	sst s2  }
0x8f: {  	_ = 	snop  }
0x90: {  	s2 =	sld [smem:$0x3FD0];
	(tm) =	ssettm $0x1  }
0x91: {  	s18 =	sld [smem:$0x3FFB];
	_ =	sdelay $0x3  }
0x92: {  	_ =	strace s18  }
0x93: {  	s3 =	sld [smem:$0x3FFC];
	_ =	sdelay $0x3  }
0x94: {  	_ =	strace s3  }
0x95: {  	s3 =	sld [smem:$0x3FFD];
	_ =	sdelay $0x3  }
0x96: {  	_ =	strace s3  }
0x97: {  	_ =	strace $0x8FFFFFFF  }
0x98: {  	s19 =	sld [smem:$0x3FDB];
	_ =	sdelay $0x1  }
0x99: {  	s4 =	simm.s32 $_scs_section_size  }
0x9a: {  	s5 =	simm.s32 $_size__tile_overlayer_lowered;
	s6 =	simm.s32 $_tile_overlayer_lowered  }
0x9b: {  	s22 =	simm.s32 $0x1BFF;
	s21 =	sshll.u32 s6, $0x1;
	s3 =	sadd.s32 s4, s19  }
0x9c: {  	s7 =	simm.s32 $0x0;
	s20 =	sshll.u32 s5, $0x1;
	s5 =	sadd.s32 s21, s3  }
0x9d: {  	[timem:s7], [sflag:s22] =	dma.local [hbm:s5], s20  }
0x9e: {  	_ =	swait.ge [sflag:s22], s20  }
0x9f: {  	s4 =	ssub.s32 $0x0, s20;
	[sflag:s22] =	ssyncset.done $0x0  }
0xa0: {  	[sflag:s22] =	ssyncadd.s32 s4;
	_ =	sdelay $0x1  }
0xa1: {  	s23 =	simm.s32 $0x1B8B  }
0xa2: {  	_ =	swait.ge [sflag:s23], $0x1  }
0xa3: {  	[sflag:s23] =	ssyncset.done $0x0  }
0xa4: {  	s25 =	simm.s32 $0x1B8E;
	s24 =	sld [smem:$0x3FFE];
	[sflag:s23] =	ssyncadd.s32 $0xFFFFFFFF  }
0xa5: {  	s26 =	simm.s32 $execute0_lowered;
	[smem:$0x3FD2] =	sst s25  }
0xa6: {  	s5 =	sshll.u32 s26, $0x1;
	_ =	strace $0x80000046;
	[dreg:$0x1] =	wrdreg $0xFFFFFFFF  }
0xa7: {  	s28 =	simm.s32 $_size_execute0_lowered;
	s3 =	sadd.s32 s3, s5;
	[dreg:$0x0] =	wrdreg $0x0  }
0xa8: {  	s5 =	sshll.u32 s28, $0x1;
	[dreg:$0x2] =	wrdreg s3  }
0xa9: {  	[dreg:$0x3] =	wrdreg s5  }
0xaa: {  	[dreg:$0x4] =	wrdreg $0xC0  }
0xab: {  	_ =	task [dreg:s7], $0x5FFFF  }
0xac: {  	[dreg:$0x1] =	wrdreg $0xFFFFFFFF  }
0xad: {  	[dreg:$0x0] =	wrdreg $0x60  }
0xae: {  	[dreg:$0x2] =	wrdreg s24  }
0xaf: {  	[dreg:$0x3] =	wrdreg s2  }
0xb0: {  	[dreg:$0x4] =	wrdreg $0x9  }
0xb1: {  	_ =	task.clear_ibuf [dreg:s7], $0x5FFFF;
	_ =	strace $0x90000046  }
0xb2: {  	s29 =	simm.s32 $0x9;
	_ =	strace $0x80000048  }
0xb3: {  	_ =	swait.ge [sflag:s29], $0x1  }
0xb4: {  	[sflag:s29] =	ssyncadd.s32 $0xFFFFFFFF  }
0xb5: {  	_ =	strace $0x90000048  }
0xb6: {  	_ =	sfence  }
0xb7: {  	s30 =	sld [smem:$0x0];
	_ =	sdelay $0x2  }
0xb8: {  	s31 =	sshll.u32 s1, $0xD;
	s1 =	sshrl.u32 s1, $0x2  }
0xb9: {  	s3 =	sand.u32 $0x4000, s31;
	s1 =	sadd.s32 s1, s30  }
0xba: {  	s0 =	sor.u32 s3, s0;
	s1 =	sshll.u32 s1, $0x11  }
0xbb: {  	s0 =	sor.u32 s1, s0  }
0xbc: {  	s0 =	sadd.s32 $0x8F2B, s0  }
0xbd: {  	[sflag:s0] =	ssyncadd.remote.s32 $0x1  }
0xbe: {  	_ =	sfence.sel $0xFFFF  }
0xbf: {  	[dreg:$0x0] =	wrdreg $0xFFFFFFFF;
	(pc) =	sbr.abs _section_cstart, $3  }
0xc0: {  	[dreg:$0x1] =	wrdreg $0xFFFFFFFF  }
0xc1: {  	_ =	task.clear_ibuf [dreg:s7], $0x2FFFF;
	_ =	strace $0x9FFFFFFF  }
0xc2: {  	(tm) =	ssettm $0x7FFFFFFF  }
0xc3: {  	_ =	shalt  }
tec
execute0_lowered:
.L_overlay_start_1:
0x0: {  	(tag) =	ssettag $0x1  }
0x1: {  	s4 =	rddreg [dreg:$0x0];
	s1 =	srdreg.scid  }
0x2: {  	s0 =	stileid.u32;
	s6 =	rddreg [dreg:$0x1]  }
0x3: {  	s2 =	simm.s32 $0x0;
	s11 =	simm.s32 $0x100;
	s12 =	simm.s32 $0x2400  }
0x4: {  	s13 =	simm.s32 $0x180;
	s14 =	simm.s32 $0x3400;
	s15 =	simm.s32 $0x200  }
0x5: {  	s16 =	simm.s32 $0x4400;
	s17 =	simm.s32 $0x280;
	s18 =	simm.s32 $0x5400  }
0x6: {  	s19 =	simm.s32 $0x300;
	s20 =	simm.s32 $0x6400;
	s21 =	simm.s32 $0x380  }
0x7: {  	s22 =	simm.s32 $0x7400;
	s23 =	simm.s32 $0x1;
	s7 =	smul.u32 $0xD0000, s0  }
0x8: {  	s5 =	sand.u32 $0x1, s1;
	s1 =	rddreg [dreg:$0x2];
	s9 =	smul.u32 $0x6800, s0  }
0x9: {  	s24 =	simm.s32 $0x0;
	[smem:$0x7FF] =	sst s2;
	s8 =	smul.u32 $0x68000, s5  }
0xa: {  	s3 =	sadd.s32 $0x1200, s4;
	s10 =	smul.u32 $0x3400, s5;
	s5 =	ssub.s32 $0x2, s5  }
0xb: {  	_ =	strace $0x80000047;
	s29 =	sshrl.u32 s5, $0x1;
	s7 =	sadd.s32 s8, s7  }
0xc: {  	s9 =	sadd.s32 s10, s9;
	s30 =	ssub.s32 s5, s29;
	s8 =	simm.s32 $0x80  }
0xd: {  	s10 =	simm.s32 $0x1400;
	s7 =	sshrl.u32 s7, $0x3;
	s31 =	sshrl.u32 s9, $0x3  }
0xe: {  	s9 =	simm.s32 $0x400;
	s7 =	sadd.s32 s7, s4;
	s4 =	smax.u32 s30, $0x1  }
0xf: {  	s6 =	sadd.s32 s31, s6;
	s5 =	sadd.s32 $0x9F5200, s7;
	s7 =	simm.s32 $0x2  }
.LBB2_1:
0x10: {  	s25 =	sadd.s32 $0x0, s6  }
0x11: {  	[tilespmem:s2], [sflag:$0x2] =	stream.linear.gather [hbm4b:s25+s2], $0x400, $0x38;
	[tilespmem:$0x8400] =	vst v63  }
0x12: {  	_ =	swait.ge [sflag:s7], $0x400  }
0x13: {  	[sflag:s7] =	ssyncset.done $0x0  }
0x14: {  	[sflag:s7] =	ssyncadd.s32 $0xFFFFFC00  }
0x15: {  	[tilespmem:s9], [sflag:$0x1] =	stream.indirect.gather [hbm4b:s3+s8], $0x20, s2, s8, $0xb8;
	[tilespmem:$0x8400] =	vst v63  }
0x16: {  	_ = 	snop  }
0x17: {  	[tilespmem:s10], [sflag:$0x1] =	stream.indirect.gather [hbm4b:s3+s8], $0x20, s8, s8, $0xb8;
	[tilespmem:$0x8400] =	vst v63  }
0x18: {  	_ = 	snop  }
0x19: {  	[tilespmem:s12], [sflag:$0x1] =	stream.indirect.gather [hbm4b:s3+s8], $0x20, s11, s8, $0xb8;
	[tilespmem:$0x8400] =	vst v63  }
0x1a: {  	_ = 	snop  }
0x1b: {  	[tilespmem:s14], [sflag:$0x1] =	stream.indirect.gather [hbm4b:s3+s8], $0x20, s13, s8, $0xb8;
	[tilespmem:$0x8400] =	vst v63  }
0x1c: {  	_ = 	snop  }
0x1d: {  	[tilespmem:s16], [sflag:$0x1] =	stream.indirect.gather [hbm4b:s3+s8], $0x20, s15, s8, $0xb8;
	[tilespmem:$0x8400] =	vst v63  }
0x1e: {  	_ = 	snop  }
0x1f: {  	[tilespmem:s18], [sflag:$0x1] =	stream.indirect.gather [hbm4b:s3+s8], $0x20, s17, s8, $0xb8;
	[tilespmem:$0x8400] =	vst v63  }
0x20: {  	_ = 	snop  }
0x21: {  	[tilespmem:s20], [sflag:$0x1] =	stream.indirect.gather [hbm4b:s3+s8], $0x20, s19, s8, $0xb8;
	[tilespmem:$0x8400] =	vst v63  }
0x22: {  	_ = 	snop  }
0x23: {  	[tilespmem:s22], [sflag:$0x1] =	stream.indirect.gather [hbm4b:s3+s8], $0x20, s21, s8, $0xb8;
	[tilespmem:$0x8400] =	vst v63  }
0x24: {  	_ =	swait.ge [sflag:s23], $0x1000  }
0x25: {  	[sflag:s23] =	ssyncset.done $0x0  }
0x26: {  	[sflag:s23] =	ssyncadd.s32 $0xFFFFF000  }
0x27: {  	_ =	swait.ge [sflag:s23], $0x1000  }
0x28: {  	[sflag:s23] =	ssyncset.done $0x0  }
0x29: {  	[sflag:s23] =	ssyncadd.s32 $0xFFFFF000  }
0x2a: {  	_ =	swait.ge [sflag:s23], $0x1000  }
0x2b: {  	[sflag:s23] =	ssyncset.done $0x0  }
0x2c: {  	[sflag:s23] =	ssyncadd.s32 $0xFFFFF000  }
0x2d: {  	_ =	swait.ge [sflag:s23], $0x1000  }
0x2e: {  	[sflag:s23] =	ssyncset.done $0x0  }
0x2f: {  	[sflag:s23] =	ssyncadd.s32 $0xFFFFF000  }
0x30: {  	_ =	swait.ge [sflag:s23], $0x1000  }
0x31: {  	[sflag:s23] =	ssyncset.done $0x0  }
0x32: {  	[sflag:s23] =	ssyncadd.s32 $0xFFFFF000  }
0x33: {  	_ =	swait.ge [sflag:s23], $0x1000  }
0x34: {  	[sflag:s23] =	ssyncset.done $0x0  }
0x35: {  	[sflag:s23] =	ssyncadd.s32 $0xFFFFF000  }
0x36: {  	_ =	swait.ge [sflag:s23], $0x1000  }
0x37: {  	[sflag:s23] =	ssyncset.done $0x0  }
0x38: {  	[sflag:s23] =	ssyncadd.s32 $0xFFFFF000  }
0x39: {  	_ =	swait.ge [sflag:s23], $0x1000  }
0x3a: {  	[sflag:s23] =	ssyncset.done $0x0  }
0x3b: {  	[sflag:s23] =	ssyncadd.s32 $0xFFFFF000  }
0x3c: {  	[hbm4b:s5+s2] =	stream.linear.scatter [tilespmem:s9], [sflag:$0x2], $0x8000, $0x38;
	[tilespmem:$0x8400] =	vst v63  }
0x3d: {  	s26 =	simm.s32 $0x80;
	_ =	swait.ge [sflag:s7], $0x8000  }
0x3e: {  	s29 =	simm.s32 $0x100;
	s25 =	sadd.s32 $0x1000, s5;
	[sflag:s7] =	ssyncset.done $0x0  }
.LBB2_2:
0x3f: {  	s30 =	sadd.s32 s26, s6  }
0x40: {  	[sflag:s7] =	ssyncadd.s32 $0xFFFF8000;
	s26 =	smov.u32 s29;
	s28 =	sadd.s32 $0x80, s29  }
0x41: {  	[tilespmem:s2], [sflag:$0x2] =	stream.linear.gather [hbm4b:s30+s2], $0x400, $0x38;
	[tilespmem:$0x8400] =	vst v63  }
0x42: {  	p0 =	sne.s32 s29, $0x600;
	_ =	swait.ge [sflag:s7], $0x400  }
0x43: {  	[sflag:s7] =	ssyncset.done $0x0  }
0x44: {  	[sflag:s7] =	ssyncadd.s32 $0xFFFFFC00  }
0x45: {  	[tilespmem:s9], [sflag:$0x1] =	stream.indirect.gather [hbm4b:s3+s8], $0x20, s2, s8, $0xb8;
	[tilespmem:$0x8400] =	vst v63  }
0x46: {  	_ = 	snop  }
0x47: {  	[tilespmem:s10], [sflag:$0x1] =	stream.indirect.gather [hbm4b:s3+s8], $0x20, s8, s8, $0xb8;
	[tilespmem:$0x8400] =	vst v63  }
0x48: {  	_ = 	snop  }
0x49: {  	[tilespmem:s12], [sflag:$0x1] =	stream.indirect.gather [hbm4b:s3+s8], $0x20, s11, s8, $0xb8;
	[tilespmem:$0x8400] =	vst v63  }
0x4a: {  	_ = 	snop  }
0x4b: {  	[tilespmem:s14], [sflag:$0x1] =	stream.indirect.gather [hbm4b:s3+s8], $0x20, s13, s8, $0xb8;
	[tilespmem:$0x8400] =	vst v63  }
0x4c: {  	_ = 	snop  }
0x4d: {  	[tilespmem:s16], [sflag:$0x1] =	stream.indirect.gather [hbm4b:s3+s8], $0x20, s15, s8, $0xb8;
	[tilespmem:$0x8400] =	vst v63  }
0x4e: {  	_ = 	snop  }
0x4f: {  	[tilespmem:s18], [sflag:$0x1] =	stream.indirect.gather [hbm4b:s3+s8], $0x20, s17, s8, $0xb8;
	[tilespmem:$0x8400] =	vst v63  }
0x50: {  	_ = 	snop  }
0x51: {  	[tilespmem:s20], [sflag:$0x1] =	stream.indirect.gather [hbm4b:s3+s8], $0x20, s19, s8, $0xb8;
	[tilespmem:$0x8400] =	vst v63  }
0x52: {  	_ = 	snop  }
0x53: {  	[tilespmem:s22], [sflag:$0x1] =	stream.indirect.gather [hbm4b:s3+s8], $0x20, s21, s8, $0xb8;
	[tilespmem:$0x8400] =	vst v63  }
0x54: {  	_ =	swait.ge [sflag:s23], $0x1000  }
0x55: {  	[sflag:s23] =	ssyncset.done $0x0  }
0x56: {  	[sflag:s23] =	ssyncadd.s32 $0xFFFFF000  }
0x57: {  	_ =	swait.ge [sflag:s23], $0x1000  }
0x58: {  	[sflag:s23] =	ssyncset.done $0x0  }
0x59: {  	[sflag:s23] =	ssyncadd.s32 $0xFFFFF000  }
0x5a: {  	_ =	swait.ge [sflag:s23], $0x1000  }
0x5b: {  	[sflag:s23] =	ssyncset.done $0x0  }
0x5c: {  	[sflag:s23] =	ssyncadd.s32 $0xFFFFF000  }
0x5d: {  	_ =	swait.ge [sflag:s23], $0x1000  }
0x5e: {  	[sflag:s23] =	ssyncset.done $0x0  }
0x5f: {  	[sflag:s23] =	ssyncadd.s32 $0xFFFFF000  }
0x60: {  	_ =	swait.ge [sflag:s23], $0x1000  }
0x61: {  	[sflag:s23] =	ssyncset.done $0x0  }
0x62: {  	[sflag:s23] =	ssyncadd.s32 $0xFFFFF000  }
0x63: {  	_ =	swait.ge [sflag:s23], $0x1000  }
0x64: {  	[sflag:s23] =	ssyncset.done $0x0  }
0x65: {  	[sflag:s23] =	ssyncadd.s32 $0xFFFFF000  }
0x66: {  	_ =	swait.ge [sflag:s23], $0x1000  }
0x67: {  	[sflag:s23] =	ssyncset.done $0x0  }
0x68: {  	[sflag:s23] =	ssyncadd.s32 $0xFFFFF000  }
0x69: {  	_ =	swait.ge [sflag:s23], $0x1000  }
.Ltmp0:
0x6a: {  	[sflag:s23] =	ssyncset.done $0x0;
	(pc) =	sbr.rel @p0 .LBB2_2-.Ltmp0, $4  }
0x6b: {  	[sflag:s23] =	ssyncadd.s32 $0xFFFFF000  }
0x6c: {  	[hbm4b:s25+s2] =	stream.linear.scatter [tilespmem:s9], [sflag:$0x2], $0x8000, $0x38;
	[tilespmem:$0x8400] =	vst v63  }
0x6d: {  	_ =	swait.ge [sflag:s7], $0x8000  }
0x6e: {  	s29 =	smov.u32 s28;
	s25 =	sadd.s32 $0x1000, s25;
	[sflag:s7] =	ssyncset.done $0x0  }
0x6f: {  	s26 =	sadd.s32 s26, s6;
	[sflag:s7] =	ssyncadd.s32 $0xFFFF8000  }
0x70: {  	[tilespmem:s2], [sflag:$0x2] =	stream.linear.gather [hbm4b:s26+s2], $0x400, $0x38;
	[tilespmem:$0x8400] =	vst v63  }
0x71: {  	_ =	swait.ge [sflag:s7], $0x400  }
0x72: {  	[sflag:s7] =	ssyncset.done $0x0  }
0x73: {  	[sflag:s7] =	ssyncadd.s32 $0xFFFFFC00  }
0x74: {  	[tilespmem:s9], [sflag:$0x1] =	stream.indirect.gather [hbm4b:s3+s8], $0x20, s2, s8, $0xb8;
	[tilespmem:$0x8400] =	vst v63  }
0x75: {  	_ = 	snop  }
0x76: {  	[tilespmem:s10], [sflag:$0x1] =	stream.indirect.gather [hbm4b:s3+s8], $0x20, s8, s8, $0xb8;
	[tilespmem:$0x8400] =	vst v63  }
0x77: {  	_ = 	snop  }
0x78: {  	[tilespmem:s12], [sflag:$0x1] =	stream.indirect.gather [hbm4b:s3+s8], $0x20, s11, s8, $0xb8;
	[tilespmem:$0x8400] =	vst v63  }
0x79: {  	_ = 	snop  }
0x7a: {  	[tilespmem:s14], [sflag:$0x1] =	stream.indirect.gather [hbm4b:s3+s8], $0x20, s13, s8, $0xb8;
	[tilespmem:$0x8400] =	vst v63  }
0x7b: {  	_ = 	snop  }
0x7c: {  	[tilespmem:s16], [sflag:$0x1] =	stream.indirect.gather [hbm4b:s3+s8], $0x20, s15, s8, $0xb8;
	[tilespmem:$0x8400] =	vst v63  }
0x7d: {  	_ = 	snop  }
0x7e: {  	[tilespmem:s18], [sflag:$0x1] =	stream.indirect.gather [hbm4b:s3+s8], $0x20, s17, s8, $0xb8;
	[tilespmem:$0x8400] =	vst v63  }
0x7f: {  	_ = 	snop  }
0x80: {  	[tilespmem:s20], [sflag:$0x1] =	stream.indirect.gather [hbm4b:s3+s8], $0x20, s19, s8, $0xb8;
	[tilespmem:$0x8400] =	vst v63  }
0x81: {  	_ = 	snop  }
0x82: {  	[tilespmem:s22], [sflag:$0x1] =	stream.indirect.gather [hbm4b:s3+s8], $0x20, s21, s8, $0xb8;
	[tilespmem:$0x8400] =	vst v63  }
0x83: {  	_ =	swait.ge [sflag:s23], $0x1000  }
0x84: {  	[sflag:s23] =	ssyncset.done $0x0  }
0x85: {  	[sflag:s23] =	ssyncadd.s32 $0xFFFFF000  }
0x86: {  	_ =	swait.ge [sflag:s23], $0x1000  }
0x87: {  	[sflag:s23] =	ssyncset.done $0x0  }
0x88: {  	[sflag:s23] =	ssyncadd.s32 $0xFFFFF000  }
0x89: {  	_ =	swait.ge [sflag:s23], $0x1000  }
0x8a: {  	[sflag:s23] =	ssyncset.done $0x0  }
0x8b: {  	[sflag:s23] =	ssyncadd.s32 $0xFFFFF000  }
0x8c: {  	_ =	swait.ge [sflag:s23], $0x1000  }
0x8d: {  	[sflag:s23] =	ssyncset.done $0x0  }
0x8e: {  	[sflag:s23] =	ssyncadd.s32 $0xFFFFF000  }
0x8f: {  	_ =	swait.ge [sflag:s23], $0x1000  }
0x90: {  	[sflag:s23] =	ssyncset.done $0x0  }
0x91: {  	[sflag:s23] =	ssyncadd.s32 $0xFFFFF000  }
0x92: {  	_ =	swait.ge [sflag:s23], $0x1000  }
0x93: {  	[sflag:s23] =	ssyncset.done $0x0  }
0x94: {  	[sflag:s23] =	ssyncadd.s32 $0xFFFFF000  }
0x95: {  	_ =	swait.ge [sflag:s23], $0x1000  }
0x96: {  	[sflag:s23] =	ssyncset.done $0x0  }
0x97: {  	[sflag:s23] =	ssyncadd.s32 $0xFFFFF000  }
0x98: {  	s24 =	sadd.s32 $0x1, s24;
	_ =	swait.ge [sflag:s23], $0x1000  }
0x99: {  	p0 =	sne.s32 s24, s4;
	[sflag:s23] =	ssyncset.done $0x0  }
.Ltmp1:
0x9a: {  	[sflag:s23] =	ssyncadd.s32 $0xFFFFF000;
	(pc) =	sbr.rel @p0 .LBB2_1-.Ltmp1, $4  }
0x9b: {  	[hbm4b:s25+s2] =	stream.linear.scatter [tilespmem:s9], [sflag:$0x2], $0x8000, $0x38;
	[tilespmem:$0x8400] =	vst v63  }
0x9c: {  	_ =	swait.ge [sflag:s7], $0x8000  }
0x9d: {  	[sflag:s7] =	ssyncset.done $0x0  }
0x9e: {  	[sflag:s7] =	ssyncadd.s32 $0xFFFF8000  }
0x9f: {  	_ =	sfence.sel $0x180000  }
0xa0: {  	[bflag:$0x0] =	sbarrier.arrive $0xFFFF  }
0xa1: {  	p0 =	sne.s32 s0, $0x0;
	_ =	strace $0x90000047  }
0xa2: {  	s0 =	sadd.s32 @!p0 $0x100000, s1;
	[bflag:$0x2] =	sbarrier.arrive $0xFFFF  }
0xa3: {  	[sflag:s0] =	ssyncadd.tile.s32 @!p0 $0x1;
	_ =	shalt  }
.Lfunc_end2:
_tile_overlayer_lowered:
.L_overlay_start_2:
0xa4: {  	(tag) =	ssettag $0x2  }
0xa5: {  	s0 =	rddreg [dreg:$0x0];
	s2 =	stileid.u32  }
0xa6: {  	s1 =	rddreg [dreg:$0x1];
	p0 =	sne.s32 s2, $0x0  }
0xa7: {  	s3 =	rddreg [dreg:$0x2];
	[bflag:$0x3] =	sbarrier.arrive $0xFFFF;
	s2 =	simm.s32 @!p0 $0x1C02  }
0xa8: {  	[timem:s3], [sflag:s2] =	dma.local @!p0 [hbm:s0], s1  }
0xa9: {  	s0 =	simm.s32 @!p0 $0x2  }
0xaa: {  	_ =	swait.ge @!p0 [sflag:s0], s1  }
0xab: {  	s1 =	ssub.s32 @!p0 $0x0, s1;
	[sflag:s0] =	ssyncset.done @!p0 $0x0  }
0xac: {  	[sflag:s0] =	ssyncadd.s32 @!p0 s1  }
0xad: {  	[bflag:$0x3] =	sbarrier.arrive $0xFFFF  }
0xae: {  	_ =	shalt  }

</sc_bundles>
